<compile_context>
chip_gen: v7x
topology: tpu7x:2x2x1
jax: 0.10.2.dev20260603
libtpu: 0.0.44.dev20260713+nightly
codegen_flags: <defaults>
</compile_context>

<pallas_src>
import functools

import jax
import jax.numpy as jnp
from jax import lax
from jax.experimental import pallas as pl
from jax.experimental.pallas import tpu as pltpu
from jax.experimental.pallas import tpu_sc as plsc

EMBED = 1024
FF = 1024
NEXP = 64
CAP = 128
TOKENS = 8192
CHUNK = 1024
NCHUNK = TOKENS // CHUNK
OVERFLOW = NEXP * CAP
EPG = 1
ROWS_PAD = OVERFLOW + EPG * CAP

NC, NS = 2, 16
NW = NC * NS
TPW = TOKENS // NW
JCH = 8
JW = TPW // JCH



def _router_body(x_ref, w_ref, b_ref, slots_ref, loss_ref, counts_ref, imp_ref):
    i = pl.program_id(0)

    @pl.when(i == 0)
    def _init():
        counts_ref[...] = jnp.zeros_like(counts_ref)
        imp_ref[...] = jnp.zeros_like(imp_ref)

    x = x_ref[...]
    w = w_ref[...]
    logits = lax.dot_general(x, w, (((1,), (1,)), ((), ())),
                             preferred_element_type=jnp.float32)
    logits = logits + b_ref[...]

    m = jnp.max(logits, axis=1, keepdims=True)
    p = jnp.exp(logits - m)
    scores = p / jnp.sum(p, axis=1, keepdims=True)
    imp_ref[...] += jnp.sum(scores, axis=0, keepdims=True)

    ms = jnp.max(scores, axis=1, keepdims=True)
    col = lax.broadcasted_iota(jnp.int32, (CHUNK, NEXP), 1)
    amax = jnp.min(jnp.where(scores == ms, col, NEXP), axis=1)
    oh = (col == amax[:, None]).astype(jnp.float32)

    r_i = lax.broadcasted_iota(jnp.int32, (CHUNK, CHUNK), 0)
    c_i = lax.broadcasted_iota(jnp.int32, (CHUNK, CHUNK), 1)
    ltri = (r_i > c_i).astype(jnp.float32)
    within = lax.dot_general(ltri, oh, (((1,), (0,)), ((), ())),
                             preferred_element_type=jnp.float32)
    rank_f = (jnp.sum(within * oh, axis=1)
              + jnp.sum(oh * counts_ref[0, :][None, :], axis=1))
    counts_ref[...] += jnp.sum(oh, axis=0, keepdims=True)

    rank = rank_f.astype(jnp.int32)
    slot = jnp.where(rank < CAP, amax * CAP + rank, OVERFLOW)
    slots_ref[0, 0, :] = slot

    @pl.when(i == NCHUNK - 1)
    def _fin():
        counts = counts_ref[0, :]
        imp = imp_ref[0, :]
        loss = (NEXP / (float(TOKENS) * float(TOKENS))
                * jnp.sum(counts * imp))
        loss_ref[...] = jnp.broadcast_to(loss, loss_ref.shape)


_router_call = pl.pallas_call(
    _router_body,
    grid=(NCHUNK,),
    in_specs=[
        pl.BlockSpec((CHUNK, EMBED), lambda i: (i, 0)),
        pl.BlockSpec((NEXP, EMBED), lambda i: (0, 0)),
        pl.BlockSpec((1, NEXP), lambda i: (0, 0)),
    ],
    out_specs=[
        pl.BlockSpec((1, 1, CHUNK), lambda i: (i, 0, 0)),
        pl.BlockSpec((1, 128), lambda i: (0, 0)),
    ],
    out_shape=[
        jax.ShapeDtypeStruct((NCHUNK, 1, CHUNK), jnp.int32),
        jax.ShapeDtypeStruct((1, 128), jnp.float32),
    ],
    scratch_shapes=[
        pltpu.VMEM((1, NEXP), jnp.float32),
        pltpu.VMEM((1, NEXP), jnp.float32),
    ],
)



def _ffn_body(x_ref, g_ref, e_ref, d_ref, out_ref):
    i = pl.program_id(0)

    @pl.when(i < NEXP // EPG)
    def _compute():
        for k in range(EPG):
            x = x_ref[pl.ds(k * CAP, CAP), :].astype(jnp.bfloat16)
            g = g_ref[k].astype(jnp.bfloat16)
            en = e_ref[k].astype(jnp.bfloat16)
            de = d_ref[k].astype(jnp.bfloat16)
            h1 = lax.dot_general(x, g, (((1,), (1,)), ((), ())),
                                 preferred_element_type=jnp.float32)
            h2 = lax.dot_general(x, en, (((1,), (1,)), ((), ())),
                                 preferred_element_type=jnp.float32)
            act = (h1 * jax.nn.sigmoid(h1) * h2).astype(jnp.bfloat16)
            out_ref[pl.ds(k * CAP, CAP), :] = lax.dot_general(
                act, de, (((1,), (1,)), ((), ())),
                preferred_element_type=jnp.float32)

    @pl.when(i == NEXP // EPG)
    def _zero():
        out_ref[...] = jnp.zeros_like(out_ref)


_ffn_call = pl.pallas_call(
    _ffn_body,
    grid=(NEXP // EPG + 1,),
    in_specs=[
        pl.BlockSpec((EPG * CAP, EMBED), lambda i: (i, 0)),
        pl.BlockSpec((EPG, FF, EMBED),
                     lambda i: (jnp.minimum(i, NEXP // EPG - 1), 0, 0)),
        pl.BlockSpec((EPG, FF, EMBED),
                     lambda i: (jnp.minimum(i, NEXP // EPG - 1), 0, 0)),
        pl.BlockSpec((EPG, EMBED, FF),
                     lambda i: (jnp.minimum(i, NEXP // EPG - 1), 0, 0)),
    ],
    out_specs=pl.BlockSpec((EPG * CAP, EMBED), lambda i: (i, 0)),
    out_shape=jax.ShapeDtypeStruct((ROWS_PAD, EMBED), jnp.float32),
)



@functools.cache
def _sc_kernels():
    mesh = plsc.VectorSubcoreMesh(core_axis_name="c", subcore_axis_name="s",
                                  num_cores=NC, num_subcores=NS)
    scratch = [
        pltpu.VMEM((JCH, JW), jnp.int32),
        pltpu.VMEM((JW, EMBED), jnp.float32),
        pltpu.VMEM((JW, EMBED), jnp.float32),
        pltpu.SemaphoreType.DMA,
        pltpu.SemaphoreType.DMA,
        pltpu.SemaphoreType.DMA,
        pltpu.SemaphoreType.DMA,
    ]


    @functools.partial(
        pl.kernel,
        out_type=jax.ShapeDtypeStruct((ROWS_PAD, EMBED), jnp.float32),
        mesh=mesh, scratch_types=scratch,
    )
    def dispatch_sc(x_hbm, slots_hbm, xdisp_hbm, idx_v, rows0, rows1,
                    gsem0, gsem1, ssem0, ssem1):
        wid = lax.axis_index("s") * NC + lax.axis_index("c")
        bufs, gsems, ssems = (rows0, rows1), (gsem0, gsem1), (ssem0, ssem1)
        pltpu.sync_copy(slots_hbm.at[wid], idx_v)
        gets = [None] * JCH
        puts = [None] * JCH
        gets[0] = pltpu.async_copy(
            x_hbm.at[pl.ds(wid * TPW, JW)], bufs[0], gsems[0])
        for j in range(JCH):
            p = j % 2
            gets[j].wait()
            puts[j] = pltpu.async_copy(
                bufs[p], xdisp_hbm.at[idx_v.at[j]], ssems[p])
            if j + 1 < JCH:
                if j - 1 >= 0:
                    puts[j - 1].wait()
                gets[j + 1] = pltpu.async_copy(
                    x_hbm.at[pl.ds(wid * TPW + (j + 1) * JW, JW)],
                    bufs[(j + 1) % 2], gsems[(j + 1) % 2])
        puts[JCH - 2].wait()
        puts[JCH - 1].wait()

    @functools.partial(
        pl.kernel,
        out_type=jax.ShapeDtypeStruct((TOKENS, EMBED), jnp.float32),
        mesh=mesh, scratch_types=scratch,
    )
    def combine_sc(out2_hbm, slots_hbm, out_hbm, idx_v, rows0, rows1,
                   gsem0, gsem1, ssem0, ssem1):
        wid = lax.axis_index("s") * NC + lax.axis_index("c")
        bufs, gsems, ssems = (rows0, rows1), (gsem0, gsem1), (ssem0, ssem1)
        pltpu.sync_copy(slots_hbm.at[wid], idx_v)
        gets = [None] * JCH
        puts = [None] * JCH
        gets[0] = pltpu.async_copy(
            out2_hbm.at[idx_v.at[0]], bufs[0], gsems[0])
        for j in range(JCH):
            p = j % 2
            gets[j].wait()
            puts[j] = pltpu.async_copy(
                bufs[p], out_hbm.at[pl.ds(wid * TPW + j * JW, JW)], ssems[p])
            if j + 1 < JCH:
                if j - 1 >= 0:
                    puts[j - 1].wait()
                gets[j + 1] = pltpu.async_copy(
                    out2_hbm.at[idx_v.at[j + 1]],
                    bufs[(j + 1) % 2], gsems[(j + 1) % 2])
        puts[JCH - 2].wait()
        puts[JCH - 1].wait()

    return dispatch_sc, combine_sc



def kernel(x_ble, W_router, b_router, gate_nfe, enc_nfe, dec_nef):
    b, l, e = x_ble.shape
    x_te = x_ble.reshape(b * l, e)
    slots16, loss = _router_call(x_te, W_router, b_router.reshape(1, NEXP))
    slots3 = slots16.reshape(NW, JCH, JW)
    dispatch_sc, combine_sc = _sc_kernels()
    x_disp = dispatch_sc(x_te, slots3)
    out2 = _ffn_call(x_disp, gate_nfe, enc_nfe, dec_nef)
    out_te = combine_sc(out2, slots3)
    return out_te.reshape(b, l, e), loss[0, 0]

# --- scband reference (transcript-rebuilt; emitter-appended) ---
"""Pipeline reference for scband-mo-e-730144440331 (READ-ONLY COPY).

The authoritative reference and input builder live on the scoring server;
editing this copy changes nothing except your own understanding.
"""

import jax, jax.numpy as jnp
import numpy as np

EMBED_DIM = 1024
FF_DIM = 1024
N_EXPERTS = 64
K = 1
CAPACITY = 128


def setup_inputs(seed: int = 0) -> dict:
    key = jax.random.key(seed)
    ks = jax.random.split(key, 6)
    x_ble = jax.random.normal(ks[0], (2, 4096, EMBED_DIM), dtype=jnp.float32)
    stdv_r = 1.0 / np.sqrt(EMBED_DIM)
    W_router = jax.random.uniform(ks[1], (N_EXPERTS, EMBED_DIM), jnp.float32, -stdv_r, stdv_r)
    b_router = jax.random.uniform(ks[2], (N_EXPERTS,), jnp.float32, -stdv_r, stdv_r)
    stdv_g = 1.0 / np.sqrt(EMBED_DIM)
    gate_nfe = jax.random.uniform(ks[3], (N_EXPERTS, FF_DIM, EMBED_DIM), jnp.float32, -stdv_g, stdv_g)
    stdv_e = 1.0 / np.sqrt(FF_DIM)
    enc_nfe = jax.random.uniform(ks[4], (N_EXPERTS, FF_DIM, EMBED_DIM), jnp.float32, -stdv_e, stdv_e)
    stdv_d = 1.0 / np.sqrt(FF_DIM)
    dec_nef = jax.random.uniform(ks[5], (N_EXPERTS, EMBED_DIM, FF_DIM), jnp.float32, -stdv_d, stdv_d)
    return {"x_ble": x_ble, "W_router": W_router, "b_router": b_router,
            "gate_nfe": gate_nfe, "enc_nfe": enc_nfe, "dec_nef": dec_nef}


def reference(x_ble, W_router, b_router, gate_nfe, enc_nfe, dec_nef):
    b, l, e = x_ble.shape
    logits_bln = jnp.einsum('ble,ne->bln', x_ble, W_router) + b_router
    scores_bln = jax.nn.softmax(logits_bln, axis=-1)
    vals_blk, idxs_blk = jax.lax.top_k(scores_bln, K)
    vals_blk = vals_blk / jnp.sum(jnp.abs(vals_blk), axis=-1, keepdims=True)
    x_te = x_ble.reshape(b * l, e)
    idxs_r = idxs_blk.reshape(-1)
    vals_r = vals_blk.reshape(-1)
    src_r = jnp.repeat(jnp.arange(b * l), K)
    perm_r = jnp.argsort(idxs_r)
    idxs_r = idxs_r[perm_r]
    vals_r = vals_r[perm_r]
    src_r = src_r[perm_r]
    counts_n = jnp.bincount(idxs_r, length=N_EXPERTS)
    cumulative_n = jnp.cumsum(counts_n)
    starts = jnp.concatenate([jnp.zeros((1,), cumulative_n.dtype), cumulative_n[:-1]])
    ranks_r = jnp.arange(idxs_r.shape[0]) - starts[idxs_r]
    mask = ranks_r < CAPACITY
    ranks_scatter = jnp.where(mask, ranks_r, CAPACITY)  # OOB -> dropped on scatter
    x_nce = jnp.zeros((N_EXPERTS, CAPACITY, e), x_te.dtype)
    x_nce = x_nce.at[idxs_r, ranks_scatter].set(x_te[src_r], mode='drop')
    out1_ncf = jax.nn.silu(jnp.einsum('nce,nfe->ncf', x_nce, gate_nfe)) * jnp.einsum('nce,nfe->ncf', x_nce, enc_nfe)
    out2_nce = jnp.einsum('ncf,nef->nce', out1_ncf, dec_nef)
    ranks_gather = jnp.where(mask, ranks_r, 0)
    gathered = out2_nce[idxs_r, ranks_gather]
    vals_m = jnp.where(mask, vals_r, 0.0)
    weighted = gathered * vals_m[:, None]
    out_te = jnp.zeros_like(x_te).at[src_r].add(weighted)
    importance_n = jnp.mean(scores_bln.reshape(-1, N_EXPERTS), axis=0)
    load_n = counts_n / idxs_r.shape[0]
    loss_aux = N_EXPERTS * jnp.dot(load_n.astype(jnp.float32), importance_n)
    return out_te.reshape(b, l, e), loss_aux

if __name__ == "__main__":
    import jax
    _d = setup_inputs()
    print(jax.jit(kernel)(*tuple(_d.values())))

</pallas_src>

<mosaic_0001>
#map = affine_map<(d0, d1) -> (0, 0)>
#map1 = affine_map<(d0, d1) -> (0, 0, 0)>
module attributes {stable_mosaic.version = 14 : i64} {
  func.func @combine_sc(%arg0: i32, %arg1: i32, %arg2: memref<8320x1024xf32, #tpu.memory_space<hbm>>, %arg3: memref<32x8x32xi32, #tpu.memory_space<hbm>>, %arg4: memref<8192x1024xf32, #tpu.memory_space<hbm>>, %arg5: memref<8x32xi32, #tpu.memory_space<vmem>>, %arg6: memref<32x1024xf32, #tpu.memory_space<vmem>>, %arg7: memref<32x1024xf32, #tpu.memory_space<vmem>>, %arg8: memref<!tpu.dma_semaphore, #tpu.memory_space<semaphore_mem>>, %arg9: memref<!tpu.dma_semaphore, #tpu.memory_space<semaphore_mem>>, %arg10: memref<!tpu.dma_semaphore, #tpu.memory_space<semaphore_mem>>, %arg11: memref<!tpu.dma_semaphore, #tpu.memory_space<semaphore_mem>>) attributes {dimension_semantics = [#tpu.dimension_semantics<core_parallel>, #tpu.dimension_semantics<subcore_parallel>], iteration_bounds = array<i64: 2, 16>, scalar_prefetch = 0 : i64, scratch_operands = 7 : i64, tpu.core_type = #tpu.core_type<sc_vector_subcore>, window_params = [{transform_indices = #map}, {transform_indices = #map1}, {transform_indices = #map}]} {
    %mul3A = arith.constant 2 : i32
    %mul3A_0 = arith.muli %arg1, %mul3A : i32
    %add3A = arith.addi %mul3A_0, %arg0 : i32
    "tpu.region"() ({
      %run_scoped3A = tpu.sem_alloc : memref<!tpu.dma_semaphore, #tpu.memory_space<semaphore_mem>>
      %dma_start3A_207 = arith.constant 0 : i32
      %dma_start3A_208 = arith.constant 0 : i32
      %dma_start3A_209 = tpu.memref_slice %arg3[%add3A, %dma_start3A_207, %dma_start3A_208] : memref<32x8x32xi32, #tpu.memory_space<hbm>> -> memref<1x8x32xi32, #tpu.memory_space<hbm>>
      %dma_start3A_210 = tpu.memref_squeeze %dma_start3A_209 : memref<1x8x32xi32, #tpu.memory_space<hbm>> -> memref<8x32xi32, #tpu.memory_space<hbm>>
      %dma_start3A_211 = arith.constant 0 : i32
      %dma_start3A_212 = arith.constant 0 : i32
      %dma_start3A_213 = tpu.memref_slice %arg3[%add3A, %dma_start3A_211, %dma_start3A_212] : memref<32x8x32xi32, #tpu.memory_space<hbm>> -> memref<1x8x32xi32, #tpu.memory_space<hbm>>
      %dma_start3A_214 = tpu.memref_squeeze %dma_start3A_213 : memref<1x8x32xi32, #tpu.memory_space<hbm>> -> memref<8x32xi32, #tpu.memory_space<hbm>>
      tpu.enqueue_dma source(%dma_start3A_214 : memref<8x32xi32, #tpu.memory_space<hbm>>) target(%arg5 : memref<8x32xi32, #tpu.memory_space<vmem>>) target_semaphore(%run_scoped3A : memref<!tpu.dma_semaphore, #tpu.memory_space<semaphore_mem>>)
      %dma_wait3A_215 = arith.constant 0 : i32
      %dma_wait3A_216 = arith.constant 0 : i32
      %dma_wait3A_217 = tpu.memref_slice %arg3[%add3A, %dma_wait3A_215, %dma_wait3A_216] : memref<32x8x32xi32, #tpu.memory_space<hbm>> -> memref<1x8x32xi32, #tpu.memory_space<hbm>>
      %dma_wait3A_218 = tpu.memref_squeeze %dma_wait3A_217 : memref<1x8x32xi32, #tpu.memory_space<hbm>> -> memref<8x32xi32, #tpu.memory_space<hbm>>
      %dma_wait3A_219 = arith.constant 0 : i32
      %dma_wait3A_220 = arith.constant 0 : i32
      %dma_wait3A_221 = tpu.memref_slice %arg3[%add3A, %dma_wait3A_219, %dma_wait3A_220] : memref<32x8x32xi32, #tpu.memory_space<hbm>> -> memref<1x8x32xi32, #tpu.memory_space<hbm>>
      %dma_wait3A_222 = tpu.memref_squeeze %dma_wait3A_221 : memref<1x8x32xi32, #tpu.memory_space<hbm>> -> memref<8x32xi32, #tpu.memory_space<hbm>>
      tpu.wait_dma2 semaphore(%run_scoped3A : memref<!tpu.dma_semaphore, #tpu.memory_space<semaphore_mem>>) src(%dma_wait3A_222 : memref<8x32xi32, #tpu.memory_space<hbm>>) dst(%arg5 : memref<8x32xi32, #tpu.memory_space<vmem>>)
      tpu.yield
    }) : () -> ()
    %dma_start3A = arith.constant 0 : i32
    %dma_start3A_1 = arith.constant 0 : i32
    %dma_start3A_2 = tpu.memref_slice %arg5[%dma_start3A, %dma_start3A_1] : memref<8x32xi32, #tpu.memory_space<vmem>> -> memref<1x32xi32, #tpu.memory_space<vmem>>
    %dma_start3A_3 = tpu.memref_squeeze %dma_start3A_2 : memref<1x32xi32, #tpu.memory_space<vmem>> -> memref<32xi32, #tpu.memory_space<vmem>>
    %dma_start3A_4 = arith.constant 0 : i32
    %dma_start3A_5 = arith.constant 0 : i32
    %dma_start3A_6 = tpu.memref_slice %arg2[%dma_start3A_4, %dma_start3A_5] : memref<8320x1024xf32, #tpu.memory_space<hbm>> -> memref<8320x1024xf32, #tpu.memory_space<hbm>>
    tpu.enqueue_indirect_dma source(%dma_start3A_6 : memref<8320x1024xf32, #tpu.memory_space<hbm>>) target(%arg6 : memref<32x1024xf32, #tpu.memory_space<vmem>>) offsets(%dma_start3A_3 : memref<32xi32, #tpu.memory_space<vmem>>) semaphore(%arg8 : memref<!tpu.dma_semaphore, #tpu.memory_space<semaphore_mem>>)
    %dma_wait3A = arith.constant 0 : i32
    %dma_wait3A_7 = arith.constant 0 : i32
    %dma_wait3A_8 = tpu.memref_slice %arg5[%dma_wait3A, %dma_wait3A_7] : memref<8x32xi32, #tpu.memory_space<vmem>> -> memref<1x32xi32, #tpu.memory_space<vmem>>
    %dma_wait3A_9 = tpu.memref_squeeze %dma_wait3A_8 : memref<1x32xi32, #tpu.memory_space<vmem>> -> memref<32xi32, #tpu.memory_space<vmem>>
    %dma_wait3A_10 = arith.constant 0 : i32
    %dma_wait3A_11 = arith.constant 0 : i32
    %dma_wait3A_12 = tpu.memref_slice %arg2[%dma_wait3A_10, %dma_wait3A_11] : memref<8320x1024xf32, #tpu.memory_space<hbm>> -> memref<8320x1024xf32, #tpu.memory_space<hbm>>
    tpu.wait_indirect_dma semaphore(%arg8 : memref<!tpu.dma_semaphore, #tpu.memory_space<semaphore_mem>>) src(%dma_wait3A_12 : memref<8320x1024xf32, #tpu.memory_space<hbm>>) dst(%arg6 : memref<32x1024xf32, #tpu.memory_space<vmem>>)
    %mul3A_13 = arith.constant 256 : i32
    %mul3A_14 = arith.muli %add3A, %mul3A_13 : i32
    %add3A_15 = arith.constant 0 : i32
    %add3A_16 = arith.addi %mul3A_14, %add3A_15 : i32
    %dma_start3A_17 = arith.constant 0 : i32
    %dma_start3A_18 = tpu.memref_slice %arg4[%add3A_16, %dma_start3A_17] : memref<8192x1024xf32, #tpu.memory_space<hbm>> -> memref<32x1024xf32, #tpu.memory_space<hbm>>
    %dma_start3A_19 = arith.constant 0 : i32
    %dma_start3A_20 = tpu.memref_slice %arg4[%add3A_16, %dma_start3A_19] : memref<8192x1024xf32, #tpu.memory_space<hbm>> -> memref<32x1024xf32, #tpu.memory_space<hbm>>
    tpu.enqueue_dma source(%arg6 : memref<32x1024xf32, #tpu.memory_space<vmem>>) target(%dma_start3A_20 : memref<32x1024xf32, #tpu.memory_space<hbm>>) target_semaphore(%arg10 : memref<!tpu.dma_semaphore, #tpu.memory_space<semaphore_mem>>)
    %dma_start3A_21 = arith.constant 1 : i32
    %dma_start3A_22 = arith.constant 0 : i32
    %dma_start3A_23 = tpu.memref_slice %arg5[%dma_start3A_21, %dma_start3A_22] : memref<8x32xi32, #tpu.memory_space<vmem>> -> memref<1x32xi32, #tpu.memory_space<vmem>>
    %dma_start3A_24 = tpu.memref_squeeze %dma_start3A_23 : memref<1x32xi32, #tpu.memory_space<vmem>> -> memref<32xi32, #tpu.memory_space<vmem>>
    %dma_start3A_25 = arith.constant 0 : i32
    %dma_start3A_26 = arith.constant 0 : i32
    %dma_start3A_27 = tpu.memref_slice %arg2[%dma_start3A_25, %dma_start3A_26] : memref<8320x1024xf32, #tpu.memory_space<hbm>> -> memref<8320x1024xf32, #tpu.memory_space<hbm>>
    tpu.enqueue_indirect_dma source(%dma_start3A_27 : memref<8320x1024xf32, #tpu.memory_space<hbm>>) target(%arg7 : memref<32x1024xf32, #tpu.memory_space<vmem>>) offsets(%dma_start3A_24 : memref<32xi32, #tpu.memory_space<vmem>>) semaphore(%arg9 : memref<!tpu.dma_semaphore, #tpu.memory_space<semaphore_mem>>)
    %dma_wait3A_28 = arith.constant 1 : i32
    %dma_wait3A_29 = arith.constant 0 : i32
    %dma_wait3A_30 = tpu.memref_slice %arg5[%dma_wait3A_28, %dma_wait3A_29] : memref<8x32xi32, #tpu.memory_space<vmem>> -> memref<1x32xi32, #tpu.memory_space<vmem>>
    %dma_wait3A_31 = tpu.memref_squeeze %dma_wait3A_30 : memref<1x32xi32, #tpu.memory_space<vmem>> -> memref<32xi32, #tpu.memory_space<vmem>>
    %dma_wait3A_32 = arith.constant 0 : i32
    %dma_wait3A_33 = arith.constant 0 : i32
    %dma_wait3A_34 = tpu.memref_slice %arg2[%dma_wait3A_32, %dma_wait3A_33] : memref<8320x1024xf32, #tpu.memory_space<hbm>> -> memref<8320x1024xf32, #tpu.memory_space<hbm>>
    tpu.wait_indirect_dma semaphore(%arg9 : memref<!tpu.dma_semaphore, #tpu.memory_space<semaphore_mem>>) src(%dma_wait3A_34 : memref<8320x1024xf32, #tpu.memory_space<hbm>>) dst(%arg7 : memref<32x1024xf32, #tpu.memory_space<vmem>>)
    %mul3A_35 = arith.constant 256 : i32
    %mul3A_36 = arith.muli %add3A, %mul3A_35 : i32
    %add3A_37 = arith.constant 32 : i32
    %add3A_38 = arith.addi %mul3A_36, %add3A_37 : i32
    %dma_start3A_39 = arith.constant 0 : i32
    %dma_start3A_40 = tpu.memref_slice %arg4[%add3A_38, %dma_start3A_39] : memref<8192x1024xf32, #tpu.memory_space<hbm>> -> memref<32x1024xf32, #tpu.memory_space<hbm>>
    %dma_start3A_41 = arith.constant 0 : i32
    %dma_start3A_42 = tpu.memref_slice %arg4[%add3A_38, %dma_start3A_41] : memref<8192x1024xf32, #tpu.memory_space<hbm>> -> memref<32x1024xf32, #tpu.memory_space<hbm>>
    tpu.enqueue_dma source(%arg7 : memref<32x1024xf32, #tpu.memory_space<vmem>>) target(%dma_start3A_42 : memref<32x1024xf32, #tpu.memory_space<hbm>>) target_semaphore(%arg11 : memref<!tpu.dma_semaphore, #tpu.memory_space<semaphore_mem>>)
    %dma_wait3A_43 = arith.constant 0 : i32
    %dma_wait3A_44 = tpu.memref_slice %arg4[%add3A_16, %dma_wait3A_43] : memref<8192x1024xf32, #tpu.memory_space<hbm>> -> memref<32x1024xf32, #tpu.memory_space<hbm>>
    %dma_wait3A_45 = arith.constant 0 : i32
    %dma_wait3A_46 = tpu.memref_slice %arg4[%add3A_16, %dma_wait3A_45] : memref<8192x1024xf32, #tpu.memory_space<hbm>> -> memref<32x1024xf32, #tpu.memory_space<hbm>>
    tpu.wait_dma2 semaphore(%arg10 : memref<!tpu.dma_semaphore, #tpu.memory_space<semaphore_mem>>) src(%arg6 : memref<32x1024xf32, #tpu.memory_space<vmem>>) dst(%dma_wait3A_46 : memref<32x1024xf32, #tpu.memory_space<hbm>>)
    %dma_start3A_47 = arith.constant 2 : i32
    %dma_start3A_48 = arith.constant 0 : i32
    %dma_start3A_49 = tpu.memref_slice %arg5[%dma_start3A_47, %dma_start3A_48] : memref<8x32xi32, #tpu.memory_space<vmem>> -> memref<1x32xi32, #tpu.memory_space<vmem>>
    %dma_start3A_50 = tpu.memref_squeeze %dma_start3A_49 : memref<1x32xi32, #tpu.memory_space<vmem>> -> memref<32xi32, #tpu.memory_space<vmem>>
    %dma_start3A_51 = arith.constant 0 : i32
    %dma_start3A_52 = arith.constant 0 : i32
    %dma_start3A_53 = tpu.memref_slice %arg2[%dma_start3A_51, %dma_start3A_52] : memref<8320x1024xf32, #tpu.memory_space<hbm>> -> memref<8320x1024xf32, #tpu.memory_space<hbm>>
    tpu.enqueue_indirect_dma source(%dma_start3A_53 : memref<8320x1024xf32, #tpu.memory_space<hbm>>) target(%arg6 : memref<32x1024xf32, #tpu.memory_space<vmem>>) offsets(%dma_start3A_50 : memref<32xi32, #tpu.memory_space<vmem>>) semaphore(%arg8 : memref<!tpu.dma_semaphore, #tpu.memory_space<semaphore_mem>>)
    %dma_wait3A_54 = arith.constant 2 : i32
    %dma_wait3A_55 = arith.constant 0 : i32
    %dma_wait3A_56 = tpu.memref_slice %arg5[%dma_wait3A_54, %dma_wait3A_55] : memref<8x32xi32, #tpu.memory_space<vmem>> -> memref<1x32xi32, #tpu.memory_space<vmem>>
    %dma_wait3A_57 = tpu.memref_squeeze %dma_wait3A_56 : memref<1x32xi32, #tpu.memory_space<vmem>> -> memref<32xi32, #tpu.memory_space<vmem>>
    %dma_wait3A_58 = arith.constant 0 : i32
    %dma_wait3A_59 = arith.constant 0 : i32
    %dma_wait3A_60 = tpu.memref_slice %arg2[%dma_wait3A_58, %dma_wait3A_59] : memref<8320x1024xf32, #tpu.memory_space<hbm>> -> memref<8320x1024xf32, #tpu.memory_space<hbm>>
    tpu.wait_indirect_dma semaphore(%arg8 : memref<!tpu.dma_semaphore, #tpu.memory_space<semaphore_mem>>) src(%dma_wait3A_60 : memref<8320x1024xf32, #tpu.memory_space<hbm>>) dst(%arg6 : memref<32x1024xf32, #tpu.memory_space<vmem>>)
    %mul3A_61 = arith.constant 256 : i32
    %mul3A_62 = arith.muli %add3A, %mul3A_61 : i32
    %add3A_63 = arith.constant 64 : i32
    %add3A_64 = arith.addi %mul3A_62, %add3A_63 : i32
    %dma_start3A_65 = arith.constant 0 : i32
    %dma_start3A_66 = tpu.memref_slice %arg4[%add3A_64, %dma_start3A_65] : memref<8192x1024xf32, #tpu.memory_space<hbm>> -> memref<32x1024xf32, #tpu.memory_space<hbm>>
    %dma_start3A_67 = arith.constant 0 : i32
    %dma_start3A_68 = tpu.memref_slice %arg4[%add3A_64, %dma_start3A_67] : memref<8192x1024xf32, #tpu.memory_space<hbm>> -> memref<32x1024xf32, #tpu.memory_space<hbm>>
    tpu.enqueue_dma source(%arg6 : memref<32x1024xf32, #tpu.memory_space<vmem>>) target(%dma_start3A_68 : memref<32x1024xf32, #tpu.memory_space<hbm>>) target_semaphore(%arg10 : memref<!tpu.dma_semaphore, #tpu.memory_space<semaphore_mem>>)
    %dma_wait3A_69 = arith.constant 0 : i32
    %dma_wait3A_70 = tpu.memref_slice %arg4[%add3A_38, %dma_wait3A_69] : memref<8192x1024xf32, #tpu.memory_space<hbm>> -> memref<32x1024xf32, #tpu.memory_space<hbm>>
    %dma_wait3A_71 = arith.constant 0 : i32
    %dma_wait3A_72 = tpu.memref_slice %arg4[%add3A_38, %dma_wait3A_71] : memref<8192x1024xf32, #tpu.memory_space<hbm>> -> memref<32x1024xf32, #tpu.memory_space<hbm>>
    tpu.wait_dma2 semaphore(%arg11 : memref<!tpu.dma_semaphore, #tpu.memory_space<semaphore_mem>>) src(%arg7 : memref<32x1024xf32, #tpu.memory_space<vmem>>) dst(%dma_wait3A_72 : memref<32x1024xf32, #tpu.memory_space<hbm>>)
    %dma_start3A_73 = arith.constant 3 : i32
    %dma_start3A_74 = arith.constant 0 : i32
    %dma_start3A_75 = tpu.memref_slice %arg5[%dma_start3A_73, %dma_start3A_74] : memref<8x32xi32, #tpu.memory_space<vmem>> -> memref<1x32xi32, #tpu.memory_space<vmem>>
    %dma_start3A_76 = tpu.memref_squeeze %dma_start3A_75 : memref<1x32xi32, #tpu.memory_space<vmem>> -> memref<32xi32, #tpu.memory_space<vmem>>
    %dma_start3A_77 = arith.constant 0 : i32
    %dma_start3A_78 = arith.constant 0 : i32
    %dma_start3A_79 = tpu.memref_slice %arg2[%dma_start3A_77, %dma_start3A_78] : memref<8320x1024xf32, #tpu.memory_space<hbm>> -> memref<8320x1024xf32, #tpu.memory_space<hbm>>
    tpu.enqueue_indirect_dma source(%dma_start3A_79 : memref<8320x1024xf32, #tpu.memory_space<hbm>>) target(%arg7 : memref<32x1024xf32, #tpu.memory_space<vmem>>) offsets(%dma_start3A_76 : memref<32xi32, #tpu.memory_space<vmem>>) semaphore(%arg9 : memref<!tpu.dma_semaphore, #tpu.memory_space<semaphore_mem>>)
    %dma_wait3A_80 = arith.constant 3 : i32
    %dma_wait3A_81 = arith.constant 0 : i32
    %dma_wait3A_82 = tpu.memref_slice %arg5[%dma_wait3A_80, %dma_wait3A_81] : memref<8x32xi32, #tpu.memory_space<vmem>> -> memref<1x32xi32, #tpu.memory_space<vmem>>
    %dma_wait3A_83 = tpu.memref_squeeze %dma_wait3A_82 : memref<1x32xi32, #tpu.memory_space<vmem>> -> memref<32xi32, #tpu.memory_space<vmem>>
    %dma_wait3A_84 = arith.constant 0 : i32
    %dma_wait3A_85 = arith.constant 0 : i32
    %dma_wait3A_86 = tpu.memref_slice %arg2[%dma_wait3A_84, %dma_wait3A_85] : memref<8320x1024xf32, #tpu.memory_space<hbm>> -> memref<8320x1024xf32, #tpu.memory_space<hbm>>
    tpu.wait_indirect_dma semaphore(%arg9 : memref<!tpu.dma_semaphore, #tpu.memory_space<semaphore_mem>>) src(%dma_wait3A_86 : memref<8320x1024xf32, #tpu.memory_space<hbm>>) dst(%arg7 : memref<32x1024xf32, #tpu.memory_space<vmem>>)
    %mul3A_87 = arith.constant 256 : i32
    %mul3A_88 = arith.muli %add3A, %mul3A_87 : i32
    %add3A_89 = arith.constant 96 : i32
    %add3A_90 = arith.addi %mul3A_88, %add3A_89 : i32
    %dma_start3A_91 = arith.constant 0 : i32
    %dma_start3A_92 = tpu.memref_slice %arg4[%add3A_90, %dma_start3A_91] : memref<8192x1024xf32, #tpu.memory_space<hbm>> -> memref<32x1024xf32, #tpu.memory_space<hbm>>
    %dma_start3A_93 = arith.constant 0 : i32
    %dma_start3A_94 = tpu.memref_slice %arg4[%add3A_90, %dma_start3A_93] : memref<8192x1024xf32, #tpu.memory_space<hbm>> -> memref<32x1024xf32, #tpu.memory_space<hbm>>
    tpu.enqueue_dma source(%arg7 : memref<32x1024xf32, #tpu.memory_space<vmem>>) target(%dma_start3A_94 : memref<32x1024xf32, #tpu.memory_space<hbm>>) target_semaphore(%arg11 : memref<!tpu.dma_semaphore, #tpu.memory_space<semaphore_mem>>)
    %dma_wait3A_95 = arith.constant 0 : i32
    %dma_wait3A_96 = tpu.memref_slice %arg4[%add3A_64, %dma_wait3A_95] : memref<8192x1024xf32, #tpu.memory_space<hbm>> -> memref<32x1024xf32, #tpu.memory_space<hbm>>
    %dma_wait3A_97 = arith.constant 0 : i32
    %dma_wait3A_98 = tpu.memref_slice %arg4[%add3A_64, %dma_wait3A_97] : memref<8192x1024xf32, #tpu.memory_space<hbm>> -> memref<32x1024xf32, #tpu.memory_space<hbm>>
    tpu.wait_dma2 semaphore(%arg10 : memref<!tpu.dma_semaphore, #tpu.memory_space<semaphore_mem>>) src(%arg6 : memref<32x1024xf32, #tpu.memory_space<vmem>>) dst(%dma_wait3A_98 : memref<32x1024xf32, #tpu.memory_space<hbm>>)
    %dma_start3A_99 = arith.constant 4 : i32
    %dma_start3A_100 = arith.constant 0 : i32
    %dma_start3A_101 = tpu.memref_slice %arg5[%dma_start3A_99, %dma_start3A_100] : memref<8x32xi32, #tpu.memory_space<vmem>> -> memref<1x32xi32, #tpu.memory_space<vmem>>
    %dma_start3A_102 = tpu.memref_squeeze %dma_start3A_101 : memref<1x32xi32, #tpu.memory_space<vmem>> -> memref<32xi32, #tpu.memory_space<vmem>>
    %dma_start3A_103 = arith.constant 0 : i32
    %dma_start3A_104 = arith.constant 0 : i32
    %dma_start3A_105 = tpu.memref_slice %arg2[%dma_start3A_103, %dma_start3A_104] : memref<8320x1024xf32, #tpu.memory_space<hbm>> -> memref<8320x1024xf32, #tpu.memory_space<hbm>>
    tpu.enqueue_indirect_dma source(%dma_start3A_105 : memref<8320x1024xf32, #tpu.memory_space<hbm>>) target(%arg6 : memref<32x1024xf32, #tpu.memory_space<vmem>>) offsets(%dma_start3A_102 : memref<32xi32, #tpu.memory_space<vmem>>) semaphore(%arg8 : memref<!tpu.dma_semaphore, #tpu.memory_space<semaphore_mem>>)
    %dma_wait3A_106 = arith.constant 4 : i32
    %dma_wait3A_107 = arith.constant 0 : i32
    %dma_wait3A_108 = tpu.memref_slice %arg5[%dma_wait3A_106, %dma_wait3A_107] : memref<8x32xi32, #tpu.memory_space<vmem>> -> memref<1x32xi32, #tpu.memory_space<vmem>>
    %dma_wait3A_109 = tpu.memref_squeeze %dma_wait3A_108 : memref<1x32xi32, #tpu.memory_space<vmem>> -> memref<32xi32, #tpu.memory_space<vmem>>
    %dma_wait3A_110 = arith.constant 0 : i32
    %dma_wait3A_111 = arith.constant 0 : i32
    %dma_wait3A_112 = tpu.memref_slice %arg2[%dma_wait3A_110, %dma_wait3A_111] : memref<8320x1024xf32, #tpu.memory_space<hbm>> -> memref<8320x1024xf32, #tpu.memory_space<hbm>>
    tpu.wait_indirect_dma semaphore(%arg8 : memref<!tpu.dma_semaphore, #tpu.memory_space<semaphore_mem>>) src(%dma_wait3A_112 : memref<8320x1024xf32, #tpu.memory_space<hbm>>) dst(%arg6 : memref<32x1024xf32, #tpu.memory_space<vmem>>)
    %mul3A_113 = arith.constant 256 : i32
    %mul3A_114 = arith.muli %add3A, %mul3A_113 : i32
    %add3A_115 = arith.constant 128 : i32
    %add3A_116 = arith.addi %mul3A_114, %add3A_115 : i32
    %dma_start3A_117 = arith.constant 0 : i32
    %dma_start3A_118 = tpu.memref_slice %arg4[%add3A_116, %dma_start3A_117] : memref<8192x1024xf32, #tpu.memory_space<hbm>> -> memref<32x1024xf32, #tpu.memory_space<hbm>>
    %dma_start3A_119 = arith.constant 0 : i32
    %dma_start3A_120 = tpu.memref_slice %arg4[%add3A_116, %dma_start3A_119] : memref<8192x1024xf32, #tpu.memory_space<hbm>> -> memref<32x1024xf32, #tpu.memory_space<hbm>>
    tpu.enqueue_dma source(%arg6 : memref<32x1024xf32, #tpu.memory_space<vmem>>) target(%dma_start3A_120 : memref<32x1024xf32, #tpu.memory_space<hbm>>) target_semaphore(%arg10 : memref<!tpu.dma_semaphore, #tpu.memory_space<semaphore_mem>>)
    %dma_wait3A_121 = arith.constant 0 : i32
    %dma_wait3A_122 = tpu.memref_slice %arg4[%add3A_90, %dma_wait3A_121] : memref<8192x1024xf32, #tpu.memory_space<hbm>> -> memref<32x1024xf32, #tpu.memory_space<hbm>>
    %dma_wait3A_123 = arith.constant 0 : i32
    %dma_wait3A_124 = tpu.memref_slice %arg4[%add3A_90, %dma_wait3A_123] : memref<8192x1024xf32, #tpu.memory_space<hbm>> -> memref<32x1024xf32, #tpu.memory_space<hbm>>
    tpu.wait_dma2 semaphore(%arg11 : memref<!tpu.dma_semaphore, #tpu.memory_space<semaphore_mem>>) src(%arg7 : memref<32x1024xf32, #tpu.memory_space<vmem>>) dst(%dma_wait3A_124 : memref<32x1024xf32, #tpu.memory_space<hbm>>)
    %dma_start3A_125 = arith.constant 5 : i32
    %dma_start3A_126 = arith.constant 0 : i32
    %dma_start3A_127 = tpu.memref_slice %arg5[%dma_start3A_125, %dma_start3A_126] : memref<8x32xi32, #tpu.memory_space<vmem>> -> memref<1x32xi32, #tpu.memory_space<vmem>>
    %dma_start3A_128 = tpu.memref_squeeze %dma_start3A_127 : memref<1x32xi32, #tpu.memory_space<vmem>> -> memref<32xi32, #tpu.memory_space<vmem>>
    %dma_start3A_129 = arith.constant 0 : i32
    %dma_start3A_130 = arith.constant 0 : i32
    %dma_start3A_131 = tpu.memref_slice %arg2[%dma_start3A_129, %dma_start3A_130] : memref<8320x1024xf32, #tpu.memory_space<hbm>> -> memref<8320x1024xf32, #tpu.memory_space<hbm>>
    tpu.enqueue_indirect_dma source(%dma_start3A_131 : memref<8320x1024xf32, #tpu.memory_space<hbm>>) target(%arg7 : memref<32x1024xf32, #tpu.memory_space<vmem>>) offsets(%dma_start3A_128 : memref<32xi32, #tpu.memory_space<vmem>>) semaphore(%arg9 : memref<!tpu.dma_semaphore, #tpu.memory_space<semaphore_mem>>)
    %dma_wait3A_132 = arith.constant 5 : i32
    %dma_wait3A_133 = arith.constant 0 : i32
    %dma_wait3A_134 = tpu.memref_slice %arg5[%dma_wait3A_132, %dma_wait3A_133] : memref<8x32xi32, #tpu.memory_space<vmem>> -> memref<1x32xi32, #tpu.memory_space<vmem>>
    %dma_wait3A_135 = tpu.memref_squeeze %dma_wait3A_134 : memref<1x32xi32, #tpu.memory_space<vmem>> -> memref<32xi32, #tpu.memory_space<vmem>>
    %dma_wait3A_136 = arith.constant 0 : i32
    %dma_wait3A_137 = arith.constant 0 : i32
    %dma_wait3A_138 = tpu.memref_slice %arg2[%dma_wait3A_136, %dma_wait3A_137] : memref<8320x1024xf32, #tpu.memory_space<hbm>> -> memref<8320x1024xf32, #tpu.memory_space<hbm>>
    tpu.wait_indirect_dma semaphore(%arg9 : memref<!tpu.dma_semaphore, #tpu.memory_space<semaphore_mem>>) src(%dma_wait3A_138 : memref<8320x1024xf32, #tpu.memory_space<hbm>>) dst(%arg7 : memref<32x1024xf32, #tpu.memory_space<vmem>>)
    %mul3A_139 = arith.constant 256 : i32
    %mul3A_140 = arith.muli %add3A, %mul3A_139 : i32
    %add3A_141 = arith.constant 160 : i32
    %add3A_142 = arith.addi %mul3A_140, %add3A_141 : i32
    %dma_start3A_143 = arith.constant 0 : i32
    %dma_start3A_144 = tpu.memref_slice %arg4[%add3A_142, %dma_start3A_143] : memref<8192x1024xf32, #tpu.memory_space<hbm>> -> memref<32x1024xf32, #tpu.memory_space<hbm>>
    %dma_start3A_145 = arith.constant 0 : i32
    %dma_start3A_146 = tpu.memref_slice %arg4[%add3A_142, %dma_start3A_145] : memref<8192x1024xf32, #tpu.memory_space<hbm>> -> memref<32x1024xf32, #tpu.memory_space<hbm>>
    tpu.enqueue_dma source(%arg7 : memref<32x1024xf32, #tpu.memory_space<vmem>>) target(%dma_start3A_146 : memref<32x1024xf32, #tpu.memory_space<hbm>>) target_semaphore(%arg11 : memref<!tpu.dma_semaphore, #tpu.memory_space<semaphore_mem>>)
    %dma_wait3A_147 = arith.constant 0 : i32
    %dma_wait3A_148 = tpu.memref_slice %arg4[%add3A_116, %dma_wait3A_147] : memref<8192x1024xf32, #tpu.memory_space<hbm>> -> memref<32x1024xf32, #tpu.memory_space<hbm>>
    %dma_wait3A_149 = arith.constant 0 : i32
    %dma_wait3A_150 = tpu.memref_slice %arg4[%add3A_116, %dma_wait3A_149] : memref<8192x1024xf32, #tpu.memory_space<hbm>> -> memref<32x1024xf32, #tpu.memory_space<hbm>>
    tpu.wait_dma2 semaphore(%arg10 : memref<!tpu.dma_semaphore, #tpu.memory_space<semaphore_mem>>) src(%arg6 : memref<32x1024xf32, #tpu.memory_space<vmem>>) dst(%dma_wait3A_150 : memref<32x1024xf32, #tpu.memory_space<hbm>>)
    %dma_start3A_151 = arith.constant 6 : i32
    %dma_start3A_152 = arith.constant 0 : i32
    %dma_start3A_153 = tpu.memref_slice %arg5[%dma_start3A_151, %dma_start3A_152] : memref<8x32xi32, #tpu.memory_space<vmem>> -> memref<1x32xi32, #tpu.memory_space<vmem>>
    %dma_start3A_154 = tpu.memref_squeeze %dma_start3A_153 : memref<1x32xi32, #tpu.memory_space<vmem>> -> memref<32xi32, #tpu.memory_space<vmem>>
    %dma_start3A_155 = arith.constant 0 : i32
    %dma_start3A_156 = arith.constant 0 : i32
    %dma_start3A_157 = tpu.memref_slice %arg2[%dma_start3A_155, %dma_start3A_156] : memref<8320x1024xf32, #tpu.memory_space<hbm>> -> memref<8320x1024xf32, #tpu.memory_space<hbm>>
    tpu.enqueue_indirect_dma source(%dma_start3A_157 : memref<8320x1024xf32, #tpu.memory_space<hbm>>) target(%arg6 : memref<32x1024xf32, #tpu.memory_space<vmem>>) offsets(%dma_start3A_154 : memref<32xi32, #tpu.memory_space<vmem>>) semaphore(%arg8 : memref<!tpu.dma_semaphore, #tpu.memory_space<semaphore_mem>>)
    %dma_wait3A_158 = arith.constant 6 : i32
    %dma_wait3A_159 = arith.constant 0 : i32
    %dma_wait3A_160 = tpu.memref_slice %arg5[%dma_wait3A_158, %dma_wait3A_159] : memref<8x32xi32, #tpu.memory_space<vmem>> -> memref<1x32xi32, #tpu.memory_space<vmem>>
    %dma_wait3A_161 = tpu.memref_squeeze %dma_wait3A_160 : memref<1x32xi32, #tpu.memory_space<vmem>> -> memref<32xi32, #tpu.memory_space<vmem>>
    %dma_wait3A_162 = arith.constant 0 : i32
    %dma_wait3A_163 = arith.constant 0 : i32
    %dma_wait3A_164 = tpu.memref_slice %arg2[%dma_wait3A_162, %dma_wait3A_163] : memref<8320x1024xf32, #tpu.memory_space<hbm>> -> memref<8320x1024xf32, #tpu.memory_space<hbm>>
    tpu.wait_indirect_dma semaphore(%arg8 : memref<!tpu.dma_semaphore, #tpu.memory_space<semaphore_mem>>) src(%dma_wait3A_164 : memref<8320x1024xf32, #tpu.memory_space<hbm>>) dst(%arg6 : memref<32x1024xf32, #tpu.memory_space<vmem>>)
    %mul3A_165 = arith.constant 256 : i32
    %mul3A_166 = arith.muli %add3A, %mul3A_165 : i32
    %add3A_167 = arith.constant 192 : i32
    %add3A_168 = arith.addi %mul3A_166, %add3A_167 : i32
    %dma_start3A_169 = arith.constant 0 : i32
    %dma_start3A_170 = tpu.memref_slice %arg4[%add3A_168, %dma_start3A_169] : memref<8192x1024xf32, #tpu.memory_space<hbm>> -> memref<32x1024xf32, #tpu.memory_space<hbm>>
    %dma_start3A_171 = arith.constant 0 : i32
    %dma_start3A_172 = tpu.memref_slice %arg4[%add3A_168, %dma_start3A_171] : memref<8192x1024xf32, #tpu.memory_space<hbm>> -> memref<32x1024xf32, #tpu.memory_space<hbm>>
    tpu.enqueue_dma source(%arg6 : memref<32x1024xf32, #tpu.memory_space<vmem>>) target(%dma_start3A_172 : memref<32x1024xf32, #tpu.memory_space<hbm>>) target_semaphore(%arg10 : memref<!tpu.dma_semaphore, #tpu.memory_space<semaphore_mem>>)
    %dma_wait3A_173 = arith.constant 0 : i32
    %dma_wait3A_174 = tpu.memref_slice %arg4[%add3A_142, %dma_wait3A_173] : memref<8192x1024xf32, #tpu.memory_space<hbm>> -> memref<32x1024xf32, #tpu.memory_space<hbm>>
    %dma_wait3A_175 = arith.constant 0 : i32
    %dma_wait3A_176 = tpu.memref_slice %arg4[%add3A_142, %dma_wait3A_175] : memref<8192x1024xf32, #tpu.memory_space<hbm>> -> memref<32x1024xf32, #tpu.memory_space<hbm>>
    tpu.wait_dma2 semaphore(%arg11 : memref<!tpu.dma_semaphore, #tpu.memory_space<semaphore_mem>>) src(%arg7 : memref<32x1024xf32, #tpu.memory_space<vmem>>) dst(%dma_wait3A_176 : memref<32x1024xf32, #tpu.memory_space<hbm>>)
    %dma_start3A_177 = arith.constant 7 : i32
    %dma_start3A_178 = arith.constant 0 : i32
    %dma_start3A_179 = tpu.memref_slice %arg5[%dma_start3A_177, %dma_start3A_178] : memref<8x32xi32, #tpu.memory_space<vmem>> -> memref<1x32xi32, #tpu.memory_space<vmem>>
    %dma_start3A_180 = tpu.memref_squeeze %dma_start3A_179 : memref<1x32xi32, #tpu.memory_space<vmem>> -> memref<32xi32, #tpu.memory_space<vmem>>
    %dma_start3A_181 = arith.constant 0 : i32
    %dma_start3A_182 = arith.constant 0 : i32
    %dma_start3A_183 = tpu.memref_slice %arg2[%dma_start3A_181, %dma_start3A_182] : memref<8320x1024xf32, #tpu.memory_space<hbm>> -> memref<8320x1024xf32, #tpu.memory_space<hbm>>
    tpu.enqueue_indirect_dma source(%dma_start3A_183 : memref<8320x1024xf32, #tpu.memory_space<hbm>>) target(%arg7 : memref<32x1024xf32, #tpu.memory_space<vmem>>) offsets(%dma_start3A_180 : memref<32xi32, #tpu.memory_space<vmem>>) semaphore(%arg9 : memref<!tpu.dma_semaphore, #tpu.memory_space<semaphore_mem>>)
    %dma_wait3A_184 = arith.constant 7 : i32
    %dma_wait3A_185 = arith.constant 0 : i32
    %dma_wait3A_186 = tpu.memref_slice %arg5[%dma_wait3A_184, %dma_wait3A_185] : memref<8x32xi32, #tpu.memory_space<vmem>> -> memref<1x32xi32, #tpu.memory_space<vmem>>
    %dma_wait3A_187 = tpu.memref_squeeze %dma_wait3A_186 : memref<1x32xi32, #tpu.memory_space<vmem>> -> memref<32xi32, #tpu.memory_space<vmem>>
    %dma_wait3A_188 = arith.constant 0 : i32
    %dma_wait3A_189 = arith.constant 0 : i32
    %dma_wait3A_190 = tpu.memref_slice %arg2[%dma_wait3A_188, %dma_wait3A_189] : memref<8320x1024xf32, #tpu.memory_space<hbm>> -> memref<8320x1024xf32, #tpu.memory_space<hbm>>
    tpu.wait_indirect_dma semaphore(%arg9 : memref<!tpu.dma_semaphore, #tpu.memory_space<semaphore_mem>>) src(%dma_wait3A_190 : memref<8320x1024xf32, #tpu.memory_space<hbm>>) dst(%arg7 : memref<32x1024xf32, #tpu.memory_space<vmem>>)
    %mul3A_191 = arith.constant 256 : i32
    %mul3A_192 = arith.muli %add3A, %mul3A_191 : i32
    %add3A_193 = arith.constant 224 : i32
    %add3A_194 = arith.addi %mul3A_192, %add3A_193 : i32
    %dma_start3A_195 = arith.constant 0 : i32
    %dma_start3A_196 = tpu.memref_slice %arg4[%add3A_194, %dma_start3A_195] : memref<8192x1024xf32, #tpu.memory_space<hbm>> -> memref<32x1024xf32, #tpu.memory_space<hbm>>
    %dma_start3A_197 = arith.constant 0 : i32
    %dma_start3A_198 = tpu.memref_slice %arg4[%add3A_194, %dma_start3A_197] : memref<8192x1024xf32, #tpu.memory_space<hbm>> -> memref<32x1024xf32, #tpu.memory_space<hbm>>
    tpu.enqueue_dma source(%arg7 : memref<32x1024xf32, #tpu.memory_space<vmem>>) target(%dma_start3A_198 : memref<32x1024xf32, #tpu.memory_space<hbm>>) target_semaphore(%arg11 : memref<!tpu.dma_semaphore, #tpu.memory_space<semaphore_mem>>)
    %dma_wait3A_199 = arith.constant 0 : i32
    %dma_wait3A_200 = tpu.memref_slice %arg4[%add3A_168, %dma_wait3A_199] : memref<8192x1024xf32, #tpu.memory_space<hbm>> -> memref<32x1024xf32, #tpu.memory_space<hbm>>
    %dma_wait3A_201 = arith.constant 0 : i32
    %dma_wait3A_202 = tpu.memref_slice %arg4[%add3A_168, %dma_wait3A_201] : memref<8192x1024xf32, #tpu.memory_space<hbm>> -> memref<32x1024xf32, #tpu.memory_space<hbm>>
    tpu.wait_dma2 semaphore(%arg10 : memref<!tpu.dma_semaphore, #tpu.memory_space<semaphore_mem>>) src(%arg6 : memref<32x1024xf32, #tpu.memory_space<vmem>>) dst(%dma_wait3A_202 : memref<32x1024xf32, #tpu.memory_space<hbm>>)
    %dma_wait3A_203 = arith.constant 0 : i32
    %dma_wait3A_204 = tpu.memref_slice %arg4[%add3A_194, %dma_wait3A_203] : memref<8192x1024xf32, #tpu.memory_space<hbm>> -> memref<32x1024xf32, #tpu.memory_space<hbm>>
    %dma_wait3A_205 = arith.constant 0 : i32
    %dma_wait3A_206 = tpu.memref_slice %arg4[%add3A_194, %dma_wait3A_205] : memref<8192x1024xf32, #tpu.memory_space<hbm>> -> memref<32x1024xf32, #tpu.memory_space<hbm>>
    tpu.wait_dma2 semaphore(%arg11 : memref<!tpu.dma_semaphore, #tpu.memory_space<semaphore_mem>>) src(%arg7 : memref<32x1024xf32, #tpu.memory_space<vmem>>) dst(%dma_wait3A_206 : memref<32x1024xf32, #tpu.memory_space<hbm>>)
    return
  }
}

#map = affine_map<(d0, d1) -> (0, 0)>
#map1 = affine_map<(d0, d1) -> (0, 0, 0)>
module attributes {stable_mosaic.version = 14 : i64} {
  func.func @dispatch_sc(%arg0: i32, %arg1: i32, %arg2: memref<8192x1024xf32, #tpu.memory_space<hbm>>, %arg3: memref<32x8x32xi32, #tpu.memory_space<hbm>>, %arg4: memref<8320x1024xf32, #tpu.memory_space<hbm>>, %arg5: memref<8x32xi32, #tpu.memory_space<vmem>>, %arg6: memref<32x1024xf32, #tpu.memory_space<vmem>>, %arg7: memref<32x1024xf32, #tpu.memory_space<vmem>>, %arg8: memref<!tpu.dma_semaphore, #tpu.memory_space<semaphore_mem>>, %arg9: memref<!tpu.dma_semaphore, #tpu.memory_space<semaphore_mem>>, %arg10: memref<!tpu.dma_semaphore, #tpu.memory_space<semaphore_mem>>, %arg11: memref<!tpu.dma_semaphore, #tpu.memory_space<semaphore_mem>>) attributes {dimension_semantics = [#tpu.dimension_semantics<core_parallel>, #tpu.dimension_semantics<subcore_parallel>], iteration_bounds = array<i64: 2, 16>, scalar_prefetch = 0 : i64, scratch_operands = 7 : i64, tpu.core_type = #tpu.core_type<sc_vector_subcore>, window_params = [{transform_indices = #map}, {transform_indices = #map1}, {transform_indices = #map}]} {
    %mul3A = arith.constant 2 : i32
    %mul3A_0 = arith.muli %arg1, %mul3A : i32
    %add3A = arith.addi %mul3A_0, %arg0 : i32
    "tpu.region"() ({
      %run_scoped3A = tpu.sem_alloc : memref<!tpu.dma_semaphore, #tpu.memory_space<semaphore_mem>>
      %dma_start3A_205 = arith.constant 0 : i32
      %dma_start3A_206 = arith.constant 0 : i32
      %dma_start3A_207 = tpu.memref_slice %arg3[%add3A, %dma_start3A_205, %dma_start3A_206] : memref<32x8x32xi32, #tpu.memory_space<hbm>> -> memref<1x8x32xi32, #tpu.memory_space<hbm>>
      %dma_start3A_208 = tpu.memref_squeeze %dma_start3A_207 : memref<1x8x32xi32, #tpu.memory_space<hbm>> -> memref<8x32xi32, #tpu.memory_space<hbm>>
      %dma_start3A_209 = arith.constant 0 : i32
      %dma_start3A_210 = arith.constant 0 : i32
      %dma_start3A_211 = tpu.memref_slice %arg3[%add3A, %dma_start3A_209, %dma_start3A_210] : memref<32x8x32xi32, #tpu.memory_space<hbm>> -> memref<1x8x32xi32, #tpu.memory_space<hbm>>
      %dma_start3A_212 = tpu.memref_squeeze %dma_start3A_211 : memref<1x8x32xi32, #tpu.memory_space<hbm>> -> memref<8x32xi32, #tpu.memory_space<hbm>>
      tpu.enqueue_dma source(%dma_start3A_212 : memref<8x32xi32, #tpu.memory_space<hbm>>) target(%arg5 : memref<8x32xi32, #tpu.memory_space<vmem>>) target_semaphore(%run_scoped3A : memref<!tpu.dma_semaphore, #tpu.memory_space<semaphore_mem>>)
      %dma_wait3A_213 = arith.constant 0 : i32
      %dma_wait3A_214 = arith.constant 0 : i32
      %dma_wait3A_215 = tpu.memref_slice %arg3[%add3A, %dma_wait3A_213, %dma_wait3A_214] : memref<32x8x32xi32, #tpu.memory_space<hbm>> -> memref<1x8x32xi32, #tpu.memory_space<hbm>>
      %dma_wait3A_216 = tpu.memref_squeeze %dma_wait3A_215 : memref<1x8x32xi32, #tpu.memory_space<hbm>> -> memref<8x32xi32, #tpu.memory_space<hbm>>
      %dma_wait3A_217 = arith.constant 0 : i32
      %dma_wait3A_218 = arith.constant 0 : i32
      %dma_wait3A_219 = tpu.memref_slice %arg3[%add3A, %dma_wait3A_217, %dma_wait3A_218] : memref<32x8x32xi32, #tpu.memory_space<hbm>> -> memref<1x8x32xi32, #tpu.memory_space<hbm>>
      %dma_wait3A_220 = tpu.memref_squeeze %dma_wait3A_219 : memref<1x8x32xi32, #tpu.memory_space<hbm>> -> memref<8x32xi32, #tpu.memory_space<hbm>>
      tpu.wait_dma2 semaphore(%run_scoped3A : memref<!tpu.dma_semaphore, #tpu.memory_space<semaphore_mem>>) src(%dma_wait3A_220 : memref<8x32xi32, #tpu.memory_space<hbm>>) dst(%arg5 : memref<8x32xi32, #tpu.memory_space<vmem>>)
      tpu.yield
    }) : () -> ()
    %mul3A_1 = arith.constant 256 : i32
    %mul3A_2 = arith.muli %add3A, %mul3A_1 : i32
    %dma_start3A = arith.constant 0 : i32
    %dma_start3A_3 = tpu.memref_slice %arg2[%mul3A_2, %dma_start3A] : memref<8192x1024xf32, #tpu.memory_space<hbm>> -> memref<32x1024xf32, #tpu.memory_space<hbm>>
    %dma_start3A_4 = arith.constant 0 : i32
    %dma_start3A_5 = tpu.memref_slice %arg2[%mul3A_2, %dma_start3A_4] : memref<8192x1024xf32, #tpu.memory_space<hbm>> -> memref<32x1024xf32, #tpu.memory_space<hbm>>
    tpu.enqueue_dma source(%dma_start3A_5 : memref<32x1024xf32, #tpu.memory_space<hbm>>) target(%arg6 : memref<32x1024xf32, #tpu.memory_space<vmem>>) target_semaphore(%arg8 : memref<!tpu.dma_semaphore, #tpu.memory_space<semaphore_mem>>)
    %dma_wait3A = arith.constant 0 : i32
    %dma_wait3A_6 = tpu.memref_slice %arg2[%mul3A_2, %dma_wait3A] : memref<8192x1024xf32, #tpu.memory_space<hbm>> -> memref<32x1024xf32, #tpu.memory_space<hbm>>
    %dma_wait3A_7 = arith.constant 0 : i32
    %dma_wait3A_8 = tpu.memref_slice %arg2[%mul3A_2, %dma_wait3A_7] : memref<8192x1024xf32, #tpu.memory_space<hbm>> -> memref<32x1024xf32, #tpu.memory_space<hbm>>
    tpu.wait_dma2 semaphore(%arg8 : memref<!tpu.dma_semaphore, #tpu.memory_space<semaphore_mem>>) src(%dma_wait3A_8 : memref<32x1024xf32, #tpu.memory_space<hbm>>) dst(%arg6 : memref<32x1024xf32, #tpu.memory_space<vmem>>)
    %dma_start3A_9 = arith.constant 0 : i32
    %dma_start3A_10 = arith.constant 0 : i32
    %dma_start3A_11 = tpu.memref_slice %arg5[%dma_start3A_9, %dma_start3A_10] : memref<8x32xi32, #tpu.memory_space<vmem>> -> memref<1x32xi32, #tpu.memory_space<vmem>>
    %dma_start3A_12 = tpu.memref_squeeze %dma_start3A_11 : memref<1x32xi32, #tpu.memory_space<vmem>> -> memref<32xi32, #tpu.memory_space<vmem>>
    %dma_start3A_13 = arith.constant 0 : i32
    %dma_start3A_14 = arith.constant 0 : i32
    %dma_start3A_15 = tpu.memref_slice %arg4[%dma_start3A_13, %dma_start3A_14] : memref<8320x1024xf32, #tpu.memory_space<hbm>> -> memref<8320x1024xf32, #tpu.memory_space<hbm>>
    tpu.enqueue_indirect_dma source(%arg6 : memref<32x1024xf32, #tpu.memory_space<vmem>>) target(%dma_start3A_15 : memref<8320x1024xf32, #tpu.memory_space<hbm>>) offsets(%dma_start3A_12 : memref<32xi32, #tpu.memory_space<vmem>>) semaphore(%arg10 : memref<!tpu.dma_semaphore, #tpu.memory_space<semaphore_mem>>)
    %mul3A_16 = arith.constant 256 : i32
    %mul3A_17 = arith.muli %add3A, %mul3A_16 : i32
    %add3A_18 = arith.constant 32 : i32
    %add3A_19 = arith.addi %mul3A_17, %add3A_18 : i32
    %dma_start3A_20 = arith.constant 0 : i32
    %dma_start3A_21 = tpu.memref_slice %arg2[%add3A_19, %dma_start3A_20] : memref<8192x1024xf32, #tpu.memory_space<hbm>> -> memref<32x1024xf32, #tpu.memory_space<hbm>>
    %dma_start3A_22 = arith.constant 0 : i32
    %dma_start3A_23 = tpu.memref_slice %arg2[%add3A_19, %dma_start3A_22] : memref<8192x1024xf32, #tpu.memory_space<hbm>> -> memref<32x1024xf32, #tpu.memory_space<hbm>>
    tpu.enqueue_dma source(%dma_start3A_23 : memref<32x1024xf32, #tpu.memory_space<hbm>>) target(%arg7 : memref<32x1024xf32, #tpu.memory_space<vmem>>) target_semaphore(%arg9 : memref<!tpu.dma_semaphore, #tpu.memory_space<semaphore_mem>>)
    %dma_wait3A_24 = arith.constant 0 : i32
    %dma_wait3A_25 = tpu.memref_slice %arg2[%add3A_19, %dma_wait3A_24] : memref<8192x1024xf32, #tpu.memory_space<hbm>> -> memref<32x1024xf32, #tpu.memory_space<hbm>>
    %dma_wait3A_26 = arith.constant 0 : i32
    %dma_wait3A_27 = tpu.memref_slice %arg2[%add3A_19, %dma_wait3A_26] : memref<8192x1024xf32, #tpu.memory_space<hbm>> -> memref<32x1024xf32, #tpu.memory_space<hbm>>
    tpu.wait_dma2 semaphore(%arg9 : memref<!tpu.dma_semaphore, #tpu.memory_space<semaphore_mem>>) src(%dma_wait3A_27 : memref<32x1024xf32, #tpu.memory_space<hbm>>) dst(%arg7 : memref<32x1024xf32, #tpu.memory_space<vmem>>)
    %dma_start3A_28 = arith.constant 1 : i32
    %dma_start3A_29 = arith.constant 0 : i32
    %dma_start3A_30 = tpu.memref_slice %arg5[%dma_start3A_28, %dma_start3A_29] : memref<8x32xi32, #tpu.memory_space<vmem>> -> memref<1x32xi32, #tpu.memory_space<vmem>>
    %dma_start3A_31 = tpu.memref_squeeze %dma_start3A_30 : memref<1x32xi32, #tpu.memory_space<vmem>> -> memref<32xi32, #tpu.memory_space<vmem>>
    %dma_start3A_32 = arith.constant 0 : i32
    %dma_start3A_33 = arith.constant 0 : i32
    %dma_start3A_34 = tpu.memref_slice %arg4[%dma_start3A_32, %dma_start3A_33] : memref<8320x1024xf32, #tpu.memory_space<hbm>> -> memref<8320x1024xf32, #tpu.memory_space<hbm>>
    tpu.enqueue_indirect_dma source(%arg7 : memref<32x1024xf32, #tpu.memory_space<vmem>>) target(%dma_start3A_34 : memref<8320x1024xf32, #tpu.memory_space<hbm>>) offsets(%dma_start3A_31 : memref<32xi32, #tpu.memory_space<vmem>>) semaphore(%arg11 : memref<!tpu.dma_semaphore, #tpu.memory_space<semaphore_mem>>)
    %dma_wait3A_35 = arith.constant 0 : i32
    %dma_wait3A_36 = arith.constant 0 : i32
    %dma_wait3A_37 = tpu.memref_slice %arg5[%dma_wait3A_35, %dma_wait3A_36] : memref<8x32xi32, #tpu.memory_space<vmem>> -> memref<1x32xi32, #tpu.memory_space<vmem>>
    %dma_wait3A_38 = tpu.memref_squeeze %dma_wait3A_37 : memref<1x32xi32, #tpu.memory_space<vmem>> -> memref<32xi32, #tpu.memory_space<vmem>>
    %dma_wait3A_39 = arith.constant 0 : i32
    %dma_wait3A_40 = arith.constant 0 : i32
    %dma_wait3A_41 = tpu.memref_slice %arg4[%dma_wait3A_39, %dma_wait3A_40] : memref<8320x1024xf32, #tpu.memory_space<hbm>> -> memref<8320x1024xf32, #tpu.memory_space<hbm>>
    tpu.wait_indirect_dma semaphore(%arg10 : memref<!tpu.dma_semaphore, #tpu.memory_space<semaphore_mem>>) src(%arg6 : memref<32x1024xf32, #tpu.memory_space<vmem>>) dst(%dma_wait3A_41 : memref<8320x1024xf32, #tpu.memory_space<hbm>>)
    %mul3A_42 = arith.constant 256 : i32
    %mul3A_43 = arith.muli %add3A, %mul3A_42 : i32
    %add3A_44 = arith.constant 64 : i32
    %add3A_45 = arith.addi %mul3A_43, %add3A_44 : i32
    %dma_start3A_46 = arith.constant 0 : i32
    %dma_start3A_47 = tpu.memref_slice %arg2[%add3A_45, %dma_start3A_46] : memref<8192x1024xf32, #tpu.memory_space<hbm>> -> memref<32x1024xf32, #tpu.memory_space<hbm>>
    %dma_start3A_48 = arith.constant 0 : i32
    %dma_start3A_49 = tpu.memref_slice %arg2[%add3A_45, %dma_start3A_48] : memref<8192x1024xf32, #tpu.memory_space<hbm>> -> memref<32x1024xf32, #tpu.memory_space<hbm>>
    tpu.enqueue_dma source(%dma_start3A_49 : memref<32x1024xf32, #tpu.memory_space<hbm>>) target(%arg6 : memref<32x1024xf32, #tpu.memory_space<vmem>>) target_semaphore(%arg8 : memref<!tpu.dma_semaphore, #tpu.memory_space<semaphore_mem>>)
    %dma_wait3A_50 = arith.constant 0 : i32
    %dma_wait3A_51 = tpu.memref_slice %arg2[%add3A_45, %dma_wait3A_50] : memref<8192x1024xf32, #tpu.memory_space<hbm>> -> memref<32x1024xf32, #tpu.memory_space<hbm>>
    %dma_wait3A_52 = arith.constant 0 : i32
    %dma_wait3A_53 = tpu.memref_slice %arg2[%add3A_45, %dma_wait3A_52] : memref<8192x1024xf32, #tpu.memory_space<hbm>> -> memref<32x1024xf32, #tpu.memory_space<hbm>>
    tpu.wait_dma2 semaphore(%arg8 : memref<!tpu.dma_semaphore, #tpu.memory_space<semaphore_mem>>) src(%dma_wait3A_53 : memref<32x1024xf32, #tpu.memory_space<hbm>>) dst(%arg6 : memref<32x1024xf32, #tpu.memory_space<vmem>>)
    %dma_start3A_54 = arith.constant 2 : i32
    %dma_start3A_55 = arith.constant 0 : i32
    %dma_start3A_56 = tpu.memref_slice %arg5[%dma_start3A_54, %dma_start3A_55] : memref<8x32xi32, #tpu.memory_space<vmem>> -> memref<1x32xi32, #tpu.memory_space<vmem>>
    %dma_start3A_57 = tpu.memref_squeeze %dma_start3A_56 : memref<1x32xi32, #tpu.memory_space<vmem>> -> memref<32xi32, #tpu.memory_space<vmem>>
    %dma_start3A_58 = arith.constant 0 : i32
    %dma_start3A_59 = arith.constant 0 : i32
    %dma_start3A_60 = tpu.memref_slice %arg4[%dma_start3A_58, %dma_start3A_59] : memref<8320x1024xf32, #tpu.memory_space<hbm>> -> memref<8320x1024xf32, #tpu.memory_space<hbm>>
    tpu.enqueue_indirect_dma source(%arg6 : memref<32x1024xf32, #tpu.memory_space<vmem>>) target(%dma_start3A_60 : memref<8320x1024xf32, #tpu.memory_space<hbm>>) offsets(%dma_start3A_57 : memref<32xi32, #tpu.memory_space<vmem>>) semaphore(%arg10 : memref<!tpu.dma_semaphore, #tpu.memory_space<semaphore_mem>>)
    %dma_wait3A_61 = arith.constant 1 : i32
    %dma_wait3A_62 = arith.constant 0 : i32
    %dma_wait3A_63 = tpu.memref_slice %arg5[%dma_wait3A_61, %dma_wait3A_62] : memref<8x32xi32, #tpu.memory_space<vmem>> -> memref<1x32xi32, #tpu.memory_space<vmem>>
    %dma_wait3A_64 = tpu.memref_squeeze %dma_wait3A_63 : memref<1x32xi32, #tpu.memory_space<vmem>> -> memref<32xi32, #tpu.memory_space<vmem>>
    %dma_wait3A_65 = arith.constant 0 : i32
    %dma_wait3A_66 = arith.constant 0 : i32
    %dma_wait3A_67 = tpu.memref_slice %arg4[%dma_wait3A_65, %dma_wait3A_66] : memref<8320x1024xf32, #tpu.memory_space<hbm>> -> memref<8320x1024xf32, #tpu.memory_space<hbm>>
    tpu.wait_indirect_dma semaphore(%arg11 : memref<!tpu.dma_semaphore, #tpu.memory_space<semaphore_mem>>) src(%arg7 : memref<32x1024xf32, #tpu.memory_space<vmem>>) dst(%dma_wait3A_67 : memref<8320x1024xf32, #tpu.memory_space<hbm>>)
    %mul3A_68 = arith.constant 256 : i32
    %mul3A_69 = arith.muli %add3A, %mul3A_68 : i32
    %add3A_70 = arith.constant 96 : i32
    %add3A_71 = arith.addi %mul3A_69, %add3A_70 : i32
    %dma_start3A_72 = arith.constant 0 : i32
    %dma_start3A_73 = tpu.memref_slice %arg2[%add3A_71, %dma_start3A_72] : memref<8192x1024xf32, #tpu.memory_space<hbm>> -> memref<32x1024xf32, #tpu.memory_space<hbm>>
    %dma_start3A_74 = arith.constant 0 : i32
    %dma_start3A_75 = tpu.memref_slice %arg2[%add3A_71, %dma_start3A_74] : memref<8192x1024xf32, #tpu.memory_space<hbm>> -> memref<32x1024xf32, #tpu.memory_space<hbm>>
    tpu.enqueue_dma source(%dma_start3A_75 : memref<32x1024xf32, #tpu.memory_space<hbm>>) target(%arg7 : memref<32x1024xf32, #tpu.memory_space<vmem>>) target_semaphore(%arg9 : memref<!tpu.dma_semaphore, #tpu.memory_space<semaphore_mem>>)
    %dma_wait3A_76 = arith.constant 0 : i32
    %dma_wait3A_77 = tpu.memref_slice %arg2[%add3A_71, %dma_wait3A_76] : memref<8192x1024xf32, #tpu.memory_space<hbm>> -> memref<32x1024xf32, #tpu.memory_space<hbm>>
    %dma_wait3A_78 = arith.constant 0 : i32
    %dma_wait3A_79 = tpu.memref_slice %arg2[%add3A_71, %dma_wait3A_78] : memref<8192x1024xf32, #tpu.memory_space<hbm>> -> memref<32x1024xf32, #tpu.memory_space<hbm>>
    tpu.wait_dma2 semaphore(%arg9 : memref<!tpu.dma_semaphore, #tpu.memory_space<semaphore_mem>>) src(%dma_wait3A_79 : memref<32x1024xf32, #tpu.memory_space<hbm>>) dst(%arg7 : memref<32x1024xf32, #tpu.memory_space<vmem>>)
    %dma_start3A_80 = arith.constant 3 : i32
    %dma_start3A_81 = arith.constant 0 : i32
    %dma_start3A_82 = tpu.memref_slice %arg5[%dma_start3A_80, %dma_start3A_81] : memref<8x32xi32, #tpu.memory_space<vmem>> -> memref<1x32xi32, #tpu.memory_space<vmem>>
    %dma_start3A_83 = tpu.memref_squeeze %dma_start3A_82 : memref<1x32xi32, #tpu.memory_space<vmem>> -> memref<32xi32, #tpu.memory_space<vmem>>
    %dma_start3A_84 = arith.constant 0 : i32
    %dma_start3A_85 = arith.constant 0 : i32
    %dma_start3A_86 = tpu.memref_slice %arg4[%dma_start3A_84, %dma_start3A_85] : memref<8320x1024xf32, #tpu.memory_space<hbm>> -> memref<8320x1024xf32, #tpu.memory_space<hbm>>
    tpu.enqueue_indirect_dma source(%arg7 : memref<32x1024xf32, #tpu.memory_space<vmem>>) target(%dma_start3A_86 : memref<8320x1024xf32, #tpu.memory_space<hbm>>) offsets(%dma_start3A_83 : memref<32xi32, #tpu.memory_space<vmem>>) semaphore(%arg11 : memref<!tpu.dma_semaphore, #tpu.memory_space<semaphore_mem>>)
    %dma_wait3A_87 = arith.constant 2 : i32
    %dma_wait3A_88 = arith.constant 0 : i32
    %dma_wait3A_89 = tpu.memref_slice %arg5[%dma_wait3A_87, %dma_wait3A_88] : memref<8x32xi32, #tpu.memory_space<vmem>> -> memref<1x32xi32, #tpu.memory_space<vmem>>
    %dma_wait3A_90 = tpu.memref_squeeze %dma_wait3A_89 : memref<1x32xi32, #tpu.memory_space<vmem>> -> memref<32xi32, #tpu.memory_space<vmem>>
    %dma_wait3A_91 = arith.constant 0 : i32
    %dma_wait3A_92 = arith.constant 0 : i32
    %dma_wait3A_93 = tpu.memref_slice %arg4[%dma_wait3A_91, %dma_wait3A_92] : memref<8320x1024xf32, #tpu.memory_space<hbm>> -> memref<8320x1024xf32, #tpu.memory_space<hbm>>
    tpu.wait_indirect_dma semaphore(%arg10 : memref<!tpu.dma_semaphore, #tpu.memory_space<semaphore_mem>>) src(%arg6 : memref<32x1024xf32, #tpu.memory_space<vmem>>) dst(%dma_wait3A_93 : memref<8320x1024xf32, #tpu.memory_space<hbm>>)
    %mul3A_94 = arith.constant 256 : i32
    %mul3A_95 = arith.muli %add3A, %mul3A_94 : i32
    %add3A_96 = arith.constant 128 : i32
    %add3A_97 = arith.addi %mul3A_95, %add3A_96 : i32
    %dma_start3A_98 = arith.constant 0 : i32
    %dma_start3A_99 = tpu.memref_slice %arg2[%add3A_97, %dma_start3A_98] : memref<8192x1024xf32, #tpu.memory_space<hbm>> -> memref<32x1024xf32, #tpu.memory_space<hbm>>
    %dma_start3A_100 = arith.constant 0 : i32
    %dma_start3A_101 = tpu.memref_slice %arg2[%add3A_97, %dma_start3A_100] : memref<8192x1024xf32, #tpu.memory_space<hbm>> -> memref<32x1024xf32, #tpu.memory_space<hbm>>
    tpu.enqueue_dma source(%dma_start3A_101 : memref<32x1024xf32, #tpu.memory_space<hbm>>) target(%arg6 : memref<32x1024xf32, #tpu.memory_space<vmem>>) target_semaphore(%arg8 : memref<!tpu.dma_semaphore, #tpu.memory_space<semaphore_mem>>)
    %dma_wait3A_102 = arith.constant 0 : i32
    %dma_wait3A_103 = tpu.memref_slice %arg2[%add3A_97, %dma_wait3A_102] : memref<8192x1024xf32, #tpu.memory_space<hbm>> -> memref<32x1024xf32, #tpu.memory_space<hbm>>
    %dma_wait3A_104 = arith.constant 0 : i32
    %dma_wait3A_105 = tpu.memref_slice %arg2[%add3A_97, %dma_wait3A_104] : memref<8192x1024xf32, #tpu.memory_space<hbm>> -> memref<32x1024xf32, #tpu.memory_space<hbm>>
    tpu.wait_dma2 semaphore(%arg8 : memref<!tpu.dma_semaphore, #tpu.memory_space<semaphore_mem>>) src(%dma_wait3A_105 : memref<32x1024xf32, #tpu.memory_space<hbm>>) dst(%arg6 : memref<32x1024xf32, #tpu.memory_space<vmem>>)
    %dma_start3A_106 = arith.constant 4 : i32
    %dma_start3A_107 = arith.constant 0 : i32
    %dma_start3A_108 = tpu.memref_slice %arg5[%dma_start3A_106, %dma_start3A_107] : memref<8x32xi32, #tpu.memory_space<vmem>> -> memref<1x32xi32, #tpu.memory_space<vmem>>
    %dma_start3A_109 = tpu.memref_squeeze %dma_start3A_108 : memref<1x32xi32, #tpu.memory_space<vmem>> -> memref<32xi32, #tpu.memory_space<vmem>>
    %dma_start3A_110 = arith.constant 0 : i32
    %dma_start3A_111 = arith.constant 0 : i32
    %dma_start3A_112 = tpu.memref_slice %arg4[%dma_start3A_110, %dma_start3A_111] : memref<8320x1024xf32, #tpu.memory_space<hbm>> -> memref<8320x1024xf32, #tpu.memory_space<hbm>>
    tpu.enqueue_indirect_dma source(%arg6 : memref<32x1024xf32, #tpu.memory_space<vmem>>) target(%dma_start3A_112 : memref<8320x1024xf32, #tpu.memory_space<hbm>>) offsets(%dma_start3A_109 : memref<32xi32, #tpu.memory_space<vmem>>) semaphore(%arg10 : memref<!tpu.dma_semaphore, #tpu.memory_space<semaphore_mem>>)
    %dma_wait3A_113 = arith.constant 3 : i32
    %dma_wait3A_114 = arith.constant 0 : i32
    %dma_wait3A_115 = tpu.memref_slice %arg5[%dma_wait3A_113, %dma_wait3A_114] : memref<8x32xi32, #tpu.memory_space<vmem>> -> memref<1x32xi32, #tpu.memory_space<vmem>>
    %dma_wait3A_116 = tpu.memref_squeeze %dma_wait3A_115 : memref<1x32xi32, #tpu.memory_space<vmem>> -> memref<32xi32, #tpu.memory_space<vmem>>
    %dma_wait3A_117 = arith.constant 0 : i32
    %dma_wait3A_118 = arith.constant 0 : i32
    %dma_wait3A_119 = tpu.memref_slice %arg4[%dma_wait3A_117, %dma_wait3A_118] : memref<8320x1024xf32, #tpu.memory_space<hbm>> -> memref<8320x1024xf32, #tpu.memory_space<hbm>>
    tpu.wait_indirect_dma semaphore(%arg11 : memref<!tpu.dma_semaphore, #tpu.memory_space<semaphore_mem>>) src(%arg7 : memref<32x1024xf32, #tpu.memory_space<vmem>>) dst(%dma_wait3A_119 : memref<8320x1024xf32, #tpu.memory_space<hbm>>)
    %mul3A_120 = arith.constant 256 : i32
    %mul3A_121 = arith.muli %add3A, %mul3A_120 : i32
    %add3A_122 = arith.constant 160 : i32
    %add3A_123 = arith.addi %mul3A_121, %add3A_122 : i32
    %dma_start3A_124 = arith.constant 0 : i32
    %dma_start3A_125 = tpu.memref_slice %arg2[%add3A_123, %dma_start3A_124] : memref<8192x1024xf32, #tpu.memory_space<hbm>> -> memref<32x1024xf32, #tpu.memory_space<hbm>>
    %dma_start3A_126 = arith.constant 0 : i32
    %dma_start3A_127 = tpu.memref_slice %arg2[%add3A_123, %dma_start3A_126] : memref<8192x1024xf32, #tpu.memory_space<hbm>> -> memref<32x1024xf32, #tpu.memory_space<hbm>>
    tpu.enqueue_dma source(%dma_start3A_127 : memref<32x1024xf32, #tpu.memory_space<hbm>>) target(%arg7 : memref<32x1024xf32, #tpu.memory_space<vmem>>) target_semaphore(%arg9 : memref<!tpu.dma_semaphore, #tpu.memory_space<semaphore_mem>>)
    %dma_wait3A_128 = arith.constant 0 : i32
    %dma_wait3A_129 = tpu.memref_slice %arg2[%add3A_123, %dma_wait3A_128] : memref<8192x1024xf32, #tpu.memory_space<hbm>> -> memref<32x1024xf32, #tpu.memory_space<hbm>>
    %dma_wait3A_130 = arith.constant 0 : i32
    %dma_wait3A_131 = tpu.memref_slice %arg2[%add3A_123, %dma_wait3A_130] : memref<8192x1024xf32, #tpu.memory_space<hbm>> -> memref<32x1024xf32, #tpu.memory_space<hbm>>
    tpu.wait_dma2 semaphore(%arg9 : memref<!tpu.dma_semaphore, #tpu.memory_space<semaphore_mem>>) src(%dma_wait3A_131 : memref<32x1024xf32, #tpu.memory_space<hbm>>) dst(%arg7 : memref<32x1024xf32, #tpu.memory_space<vmem>>)
    %dma_start3A_132 = arith.constant 5 : i32
    %dma_start3A_133 = arith.constant 0 : i32
    %dma_start3A_134 = tpu.memref_slice %arg5[%dma_start3A_132, %dma_start3A_133] : memref<8x32xi32, #tpu.memory_space<vmem>> -> memref<1x32xi32, #tpu.memory_space<vmem>>
    %dma_start3A_135 = tpu.memref_squeeze %dma_start3A_134 : memref<1x32xi32, #tpu.memory_space<vmem>> -> memref<32xi32, #tpu.memory_space<vmem>>
    %dma_start3A_136 = arith.constant 0 : i32
    %dma_start3A_137 = arith.constant 0 : i32
    %dma_start3A_138 = tpu.memref_slice %arg4[%dma_start3A_136, %dma_start3A_137] : memref<8320x1024xf32, #tpu.memory_space<hbm>> -> memref<8320x1024xf32, #tpu.memory_space<hbm>>
    tpu.enqueue_indirect_dma source(%arg7 : memref<32x1024xf32, #tpu.memory_space<vmem>>) target(%dma_start3A_138 : memref<8320x1024xf32, #tpu.memory_space<hbm>>) offsets(%dma_start3A_135 : memref<32xi32, #tpu.memory_space<vmem>>) semaphore(%arg11 : memref<!tpu.dma_semaphore, #tpu.memory_space<semaphore_mem>>)
    %dma_wait3A_139 = arith.constant 4 : i32
    %dma_wait3A_140 = arith.constant 0 : i32
    %dma_wait3A_141 = tpu.memref_slice %arg5[%dma_wait3A_139, %dma_wait3A_140] : memref<8x32xi32, #tpu.memory_space<vmem>> -> memref<1x32xi32, #tpu.memory_space<vmem>>
    %dma_wait3A_142 = tpu.memref_squeeze %dma_wait3A_141 : memref<1x32xi32, #tpu.memory_space<vmem>> -> memref<32xi32, #tpu.memory_space<vmem>>
    %dma_wait3A_143 = arith.constant 0 : i32
    %dma_wait3A_144 = arith.constant 0 : i32
    %dma_wait3A_145 = tpu.memref_slice %arg4[%dma_wait3A_143, %dma_wait3A_144] : memref<8320x1024xf32, #tpu.memory_space<hbm>> -> memref<8320x1024xf32, #tpu.memory_space<hbm>>
    tpu.wait_indirect_dma semaphore(%arg10 : memref<!tpu.dma_semaphore, #tpu.memory_space<semaphore_mem>>) src(%arg6 : memref<32x1024xf32, #tpu.memory_space<vmem>>) dst(%dma_wait3A_145 : memref<8320x1024xf32, #tpu.memory_space<hbm>>)
    %mul3A_146 = arith.constant 256 : i32
    %mul3A_147 = arith.muli %add3A, %mul3A_146 : i32
    %add3A_148 = arith.constant 192 : i32
    %add3A_149 = arith.addi %mul3A_147, %add3A_148 : i32
    %dma_start3A_150 = arith.constant 0 : i32
    %dma_start3A_151 = tpu.memref_slice %arg2[%add3A_149, %dma_start3A_150] : memref<8192x1024xf32, #tpu.memory_space<hbm>> -> memref<32x1024xf32, #tpu.memory_space<hbm>>
    %dma_start3A_152 = arith.constant 0 : i32
    %dma_start3A_153 = tpu.memref_slice %arg2[%add3A_149, %dma_start3A_152] : memref<8192x1024xf32, #tpu.memory_space<hbm>> -> memref<32x1024xf32, #tpu.memory_space<hbm>>
    tpu.enqueue_dma source(%dma_start3A_153 : memref<32x1024xf32, #tpu.memory_space<hbm>>) target(%arg6 : memref<32x1024xf32, #tpu.memory_space<vmem>>) target_semaphore(%arg8 : memref<!tpu.dma_semaphore, #tpu.memory_space<semaphore_mem>>)
    %dma_wait3A_154 = arith.constant 0 : i32
    %dma_wait3A_155 = tpu.memref_slice %arg2[%add3A_149, %dma_wait3A_154] : memref<8192x1024xf32, #tpu.memory_space<hbm>> -> memref<32x1024xf32, #tpu.memory_space<hbm>>
    %dma_wait3A_156 = arith.constant 0 : i32
    %dma_wait3A_157 = tpu.memref_slice %arg2[%add3A_149, %dma_wait3A_156] : memref<8192x1024xf32, #tpu.memory_space<hbm>> -> memref<32x1024xf32, #tpu.memory_space<hbm>>
    tpu.wait_dma2 semaphore(%arg8 : memref<!tpu.dma_semaphore, #tpu.memory_space<semaphore_mem>>) src(%dma_wait3A_157 : memref<32x1024xf32, #tpu.memory_space<hbm>>) dst(%arg6 : memref<32x1024xf32, #tpu.memory_space<vmem>>)
    %dma_start3A_158 = arith.constant 6 : i32
    %dma_start3A_159 = arith.constant 0 : i32
    %dma_start3A_160 = tpu.memref_slice %arg5[%dma_start3A_158, %dma_start3A_159] : memref<8x32xi32, #tpu.memory_space<vmem>> -> memref<1x32xi32, #tpu.memory_space<vmem>>
    %dma_start3A_161 = tpu.memref_squeeze %dma_start3A_160 : memref<1x32xi32, #tpu.memory_space<vmem>> -> memref<32xi32, #tpu.memory_space<vmem>>
    %dma_start3A_162 = arith.constant 0 : i32
    %dma_start3A_163 = arith.constant 0 : i32
    %dma_start3A_164 = tpu.memref_slice %arg4[%dma_start3A_162, %dma_start3A_163] : memref<8320x1024xf32, #tpu.memory_space<hbm>> -> memref<8320x1024xf32, #tpu.memory_space<hbm>>
    tpu.enqueue_indirect_dma source(%arg6 : memref<32x1024xf32, #tpu.memory_space<vmem>>) target(%dma_start3A_164 : memref<8320x1024xf32, #tpu.memory_space<hbm>>) offsets(%dma_start3A_161 : memref<32xi32, #tpu.memory_space<vmem>>) semaphore(%arg10 : memref<!tpu.dma_semaphore, #tpu.memory_space<semaphore_mem>>)
    %dma_wait3A_165 = arith.constant 5 : i32
    %dma_wait3A_166 = arith.constant 0 : i32
    %dma_wait3A_167 = tpu.memref_slice %arg5[%dma_wait3A_165, %dma_wait3A_166] : memref<8x32xi32, #tpu.memory_space<vmem>> -> memref<1x32xi32, #tpu.memory_space<vmem>>
    %dma_wait3A_168 = tpu.memref_squeeze %dma_wait3A_167 : memref<1x32xi32, #tpu.memory_space<vmem>> -> memref<32xi32, #tpu.memory_space<vmem>>
    %dma_wait3A_169 = arith.constant 0 : i32
    %dma_wait3A_170 = arith.constant 0 : i32
    %dma_wait3A_171 = tpu.memref_slice %arg4[%dma_wait3A_169, %dma_wait3A_170] : memref<8320x1024xf32, #tpu.memory_space<hbm>> -> memref<8320x1024xf32, #tpu.memory_space<hbm>>
    tpu.wait_indirect_dma semaphore(%arg11 : memref<!tpu.dma_semaphore, #tpu.memory_space<semaphore_mem>>) src(%arg7 : memref<32x1024xf32, #tpu.memory_space<vmem>>) dst(%dma_wait3A_171 : memref<8320x1024xf32, #tpu.memory_space<hbm>>)
    %mul3A_172 = arith.constant 256 : i32
    %mul3A_173 = arith.muli %add3A, %mul3A_172 : i32
    %add3A_174 = arith.constant 224 : i32
    %add3A_175 = arith.addi %mul3A_173, %add3A_174 : i32
    %dma_start3A_176 = arith.constant 0 : i32
    %dma_start3A_177 = tpu.memref_slice %arg2[%add3A_175, %dma_start3A_176] : memref<8192x1024xf32, #tpu.memory_space<hbm>> -> memref<32x1024xf32, #tpu.memory_space<hbm>>
    %dma_start3A_178 = arith.constant 0 : i32
    %dma_start3A_179 = tpu.memref_slice %arg2[%add3A_175, %dma_start3A_178] : memref<8192x1024xf32, #tpu.memory_space<hbm>> -> memref<32x1024xf32, #tpu.memory_space<hbm>>
    tpu.enqueue_dma source(%dma_start3A_179 : memref<32x1024xf32, #tpu.memory_space<hbm>>) target(%arg7 : memref<32x1024xf32, #tpu.memory_space<vmem>>) target_semaphore(%arg9 : memref<!tpu.dma_semaphore, #tpu.memory_space<semaphore_mem>>)
    %dma_wait3A_180 = arith.constant 0 : i32
    %dma_wait3A_181 = tpu.memref_slice %arg2[%add3A_175, %dma_wait3A_180] : memref<8192x1024xf32, #tpu.memory_space<hbm>> -> memref<32x1024xf32, #tpu.memory_space<hbm>>
    %dma_wait3A_182 = arith.constant 0 : i32
    %dma_wait3A_183 = tpu.memref_slice %arg2[%add3A_175, %dma_wait3A_182] : memref<8192x1024xf32, #tpu.memory_space<hbm>> -> memref<32x1024xf32, #tpu.memory_space<hbm>>
    tpu.wait_dma2 semaphore(%arg9 : memref<!tpu.dma_semaphore, #tpu.memory_space<semaphore_mem>>) src(%dma_wait3A_183 : memref<32x1024xf32, #tpu.memory_space<hbm>>) dst(%arg7 : memref<32x1024xf32, #tpu.memory_space<vmem>>)
    %dma_start3A_184 = arith.constant 7 : i32
    %dma_start3A_185 = arith.constant 0 : i32
    %dma_start3A_186 = tpu.memref_slice %arg5[%dma_start3A_184, %dma_start3A_185] : memref<8x32xi32, #tpu.memory_space<vmem>> -> memref<1x32xi32, #tpu.memory_space<vmem>>
    %dma_start3A_187 = tpu.memref_squeeze %dma_start3A_186 : memref<1x32xi32, #tpu.memory_space<vmem>> -> memref<32xi32, #tpu.memory_space<vmem>>
    %dma_start3A_188 = arith.constant 0 : i32
    %dma_start3A_189 = arith.constant 0 : i32
    %dma_start3A_190 = tpu.memref_slice %arg4[%dma_start3A_188, %dma_start3A_189] : memref<8320x1024xf32, #tpu.memory_space<hbm>> -> memref<8320x1024xf32, #tpu.memory_space<hbm>>
    tpu.enqueue_indirect_dma source(%arg7 : memref<32x1024xf32, #tpu.memory_space<vmem>>) target(%dma_start3A_190 : memref<8320x1024xf32, #tpu.memory_space<hbm>>) offsets(%dma_start3A_187 : memref<32xi32, #tpu.memory_space<vmem>>) semaphore(%arg11 : memref<!tpu.dma_semaphore, #tpu.memory_space<semaphore_mem>>)
    %dma_wait3A_191 = arith.constant 6 : i32
    %dma_wait3A_192 = arith.constant 0 : i32
    %dma_wait3A_193 = tpu.memref_slice %arg5[%dma_wait3A_191, %dma_wait3A_192] : memref<8x32xi32, #tpu.memory_space<vmem>> -> memref<1x32xi32, #tpu.memory_space<vmem>>
    %dma_wait3A_194 = tpu.memref_squeeze %dma_wait3A_193 : memref<1x32xi32, #tpu.memory_space<vmem>> -> memref<32xi32, #tpu.memory_space<vmem>>
    %dma_wait3A_195 = arith.constant 0 : i32
    %dma_wait3A_196 = arith.constant 0 : i32
    %dma_wait3A_197 = tpu.memref_slice %arg4[%dma_wait3A_195, %dma_wait3A_196] : memref<8320x1024xf32, #tpu.memory_space<hbm>> -> memref<8320x1024xf32, #tpu.memory_space<hbm>>
    tpu.wait_indirect_dma semaphore(%arg10 : memref<!tpu.dma_semaphore, #tpu.memory_space<semaphore_mem>>) src(%arg6 : memref<32x1024xf32, #tpu.memory_space<vmem>>) dst(%dma_wait3A_197 : memref<8320x1024xf32, #tpu.memory_space<hbm>>)
    %dma_wait3A_198 = arith.constant 7 : i32
    %dma_wait3A_199 = arith.constant 0 : i32
    %dma_wait3A_200 = tpu.memref_slice %arg5[%dma_wait3A_198, %dma_wait3A_199] : memref<8x32xi32, #tpu.memory_space<vmem>> -> memref<1x32xi32, #tpu.memory_space<vmem>>
    %dma_wait3A_201 = tpu.memref_squeeze %dma_wait3A_200 : memref<1x32xi32, #tpu.memory_space<vmem>> -> memref<32xi32, #tpu.memory_space<vmem>>
    %dma_wait3A_202 = arith.constant 0 : i32
    %dma_wait3A_203 = arith.constant 0 : i32
    %dma_wait3A_204 = tpu.memref_slice %arg4[%dma_wait3A_202, %dma_wait3A_203] : memref<8320x1024xf32, #tpu.memory_space<hbm>> -> memref<8320x1024xf32, #tpu.memory_space<hbm>>
    tpu.wait_indirect_dma semaphore(%arg11 : memref<!tpu.dma_semaphore, #tpu.memory_space<semaphore_mem>>) src(%arg7 : memref<32x1024xf32, #tpu.memory_space<vmem>>) dst(%dma_wait3A_204 : memref<8320x1024xf32, #tpu.memory_space<hbm>>)
    return
  }
}

module attributes {stable_mosaic.version = 14 : i64} {
  func.func @_router_body(%arg0: i32, %arg1: memref<1024x1024xf32, #tpu.memory_space<vmem>>, %arg2: memref<64x1024xf32, #tpu.memory_space<vmem>>, %arg3: memref<1x64xf32, #tpu.memory_space<vmem>>, %arg4: memref<1x1x1024xi32, #tpu.memory_space<vmem>>, %arg5: memref<1x128xf32, #tpu.memory_space<vmem>>, %arg6: memref<1x64xf32, #tpu.memory_space<vmem>>, %arg7: memref<1x64xf32, #tpu.memory_space<vmem>>) attributes {dimension_semantics = [#tpu.dimension_semantics<arbitrary>], iteration_bounds = array<i64: 8>, scalar_prefetch = 0 : i64, scratch_operands = 2 : i64, tpu.core_type = #tpu.core_type<tc>, window_params = [{transform_indices = @transform_0, window_bounds = array<i64: 1024, 1024>}, {pipeline_mode = #tpu.pipeline_mode<synchronous>, transform_indices = @transform_1, window_bounds = array<i64: 64, 1024>}, {pipeline_mode = #tpu.pipeline_mode<synchronous>, transform_indices = @transform_2, window_bounds = array<i64: 1, 64>}, {transform_indices = @transform_3, window_bounds = array<i64: 1, 1, 1024>}, {pipeline_mode = #tpu.pipeline_mode<synchronous>, transform_indices = @transform_4, window_bounds = array<i64: 1, 128>}]} {
    %eq3A = arith.constant 0 : i32
    %eq3A_0 = arith.cmpi eq, %arg0, %eq3A : i32
    %convert_element_type3A = arith.extui %eq3A_0 : i1 to i32
    %cond3A = arith.constant 0 : i32
    %cond3A_1 = arith.cmpi ne, %convert_element_type3A, %cond3A : i32
    scf.if %cond3A_1 {
      %broadcast_in_dim3A_87 = arith.constant 0.000000e+00 : f32
      %broadcast_in_dim3A_88 = vector.broadcast %broadcast_in_dim3A_87 : f32 to vector<1x64xf32>
      %swap3A_89 = arith.constant 0 : index
      %swap3A_90 = arith.constant 0 : index
      %swap3A_91 = vector.load %arg6[%swap3A_89, %swap3A_90] : memref<1x64xf32, #tpu.memory_space<vmem>>, vector<1x64xf32>
      tpu.vector_store %arg6[%swap3A_89, %swap3A_90], %broadcast_in_dim3A_88 {strides = array<i32>} : memref<1x64xf32, #tpu.memory_space<vmem>>, vector<1x64xf32>,
      %broadcast_in_dim3A_92 = arith.constant 0.000000e+00 : f32
      %broadcast_in_dim3A_93 = vector.broadcast %broadcast_in_dim3A_92 : f32 to vector<1x64xf32>
      %swap3A_94 = arith.constant 0 : index
      %swap3A_95 = arith.constant 0 : index
      %swap3A_96 = vector.load %arg7[%swap3A_94, %swap3A_95] : memref<1x64xf32, #tpu.memory_space<vmem>>, vector<1x64xf32>
      tpu.vector_store %arg7[%swap3A_94, %swap3A_95], %broadcast_in_dim3A_93 {strides = array<i32>} : memref<1x64xf32, #tpu.memory_space<vmem>>, vector<1x64xf32>,
    } else {
    }
    %get3A = arith.constant 0 : index
    %get3A_2 = arith.constant 0 : index
    %get3A_3 = vector.load %arg1[%get3A, %get3A_2] : memref<1024x1024xf32, #tpu.memory_space<vmem>>, vector<1024x1024xf32>
    %get3A_4 = arith.constant 0 : index
    %get3A_5 = arith.constant 0 : index
    %get3A_6 = vector.load %arg2[%get3A_4, %get3A_5] : memref<64x1024xf32, #tpu.memory_space<vmem>>, vector<64x1024xf32>
    %dot_general3A = arith.constant dense<0.000000e+00> : vector<1024x64xf32>
    %dot_general3A_7 = tpu.matmul %get3A_3, %get3A_6, %dot_general3A {dimension_numbers = #tpu.dot_dimension_numbers<[1], [1], [0], [0], [0, 0, 1, 0], [], []>, transpose_lhs_hint = false} : vector<1024x1024xf32>, vector<64x1024xf32>, vector<1024x64xf32> -> vector<1024x64xf32>
    %get3A_8 = arith.constant 0 : index
    %get3A_9 = arith.constant 0 : index
    %get3A_10 = vector.load %arg3[%get3A_8, %get3A_9] : memref<1x64xf32, #tpu.memory_space<vmem>>, vector<1x64xf32>
    %add3A = vector.broadcast %get3A_10 : vector<1x64xf32> to vector<1024x64xf32>
    %add3A_11 = arith.addf %dot_general3A_7, %add3A : vector<1024x64xf32>
    %reduce_max3A = arith.constant dense<0xFF800000> : vector<1024xf32>
    %reduce_max3A_12 = vector.multi_reduction <maximumf>, %add3A_11, %reduce_max3A [1] : vector<1024x64xf32> to vector<1024xf32>
    %broadcast_in_dim3A = vector.shape_cast %reduce_max3A_12 : vector<1024xf32> to vector<1024x1xf32>
    %sub3A = vector.broadcast %broadcast_in_dim3A : vector<1024x1xf32> to vector<1024x64xf32>
    %sub3A_13 = arith.subf %add3A_11, %sub3A : vector<1024x64xf32>
    %exp3A = math.exp %sub3A_13 : vector<1024x64xf32>
    %reduce_sum3A = arith.constant dense<0.000000e+00> : vector<1024xf32>
    %reduce_sum3A_14 = vector.multi_reduction <add>, %exp3A, %reduce_sum3A [1] : vector<1024x64xf32> to vector<1024xf32>
    %broadcast_in_dim3A_15 = vector.shape_cast %reduce_sum3A_14 : vector<1024xf32> to vector<1024x1xf32>
    %div3A = vector.broadcast %broadcast_in_dim3A_15 : vector<1024x1xf32> to vector<1024x64xf32>
    %div3A_16 = arith.divf %exp3A, %div3A : vector<1024x64xf32>
    %get3A_17 = arith.constant 0 : index
    %get3A_18 = arith.constant 0 : index
    %get3A_19 = vector.load %arg7[%get3A_17, %get3A_18] : memref<1x64xf32, #tpu.memory_space<vmem>>, vector<1x64xf32>
    %reduce_sum3A_20 = arith.constant dense<0.000000e+00> : vector<64xf32>
    %reduce_sum3A_21 = vector.multi_reduction <add>, %div3A_16, %reduce_sum3A_20 [0] : vector<1024x64xf32> to vector<64xf32>
    %broadcast_in_dim3A_22 = vector.shape_cast %reduce_sum3A_21 : vector<64xf32> to vector<1x64xf32>
    %add3A_23 = arith.addf %get3A_19, %broadcast_in_dim3A_22 : vector<1x64xf32>
    %swap3A = arith.constant 0 : index
    %swap3A_24 = arith.constant 0 : index
    %swap3A_25 = vector.load %arg7[%swap3A, %swap3A_24] : memref<1x64xf32, #tpu.memory_space<vmem>>, vector<1x64xf32>
    tpu.vector_store %arg7[%swap3A, %swap3A_24], %add3A_23 {strides = array<i32>} : memref<1x64xf32, #tpu.memory_space<vmem>>, vector<1x64xf32>,
    %reduce_max3A_26 = arith.constant dense<0xFF800000> : vector<1024xf32>
    %reduce_max3A_27 = vector.multi_reduction <maximumf>, %div3A_16, %reduce_max3A_26 [1] : vector<1024x64xf32> to vector<1024xf32>
    %broadcast_in_dim3A_28 = vector.shape_cast %reduce_max3A_27 : vector<1024xf32> to vector<1024x1xf32>
    %iota3A = tpu.iota {dimensions = array<i32: 1>} : vector<1024x64xi32>
    %eq3A_29 = vector.broadcast %broadcast_in_dim3A_28 : vector<1024x1xf32> to vector<1024x64xf32>
    %eq3A_30 = arith.cmpf oeq, %div3A_16, %eq3A_29 : vector<1024x64xf32>
    %jit3A = arith.constant 64 : i32
    %broadcast_in_dim3A_31 = vector.broadcast %jit3A : i32 to vector<1024x64xi32>
    %select_n3A = arith.select %eq3A_30, %iota3A, %broadcast_in_dim3A_31 : vector<1024x64xi1>, vector<1024x64xi32>
    %reduce_min3A = arith.constant dense<2147483647> : vector<1024xi32>
    %reduce_min3A_32 = vector.multi_reduction <minsi>, %select_n3A, %reduce_min3A [1] : vector<1024x64xi32> to vector<1024xi32>
    %broadcast_in_dim3A_33 = vector.shape_cast %reduce_min3A_32 : vector<1024xi32> to vector<1024x1xi32>
    %eq3A_34 = vector.broadcast %broadcast_in_dim3A_33 : vector<1024x1xi32> to vector<1024x64xi32>
    %eq3A_35 = arith.cmpi eq, %iota3A, %eq3A_34 : vector<1024x64xi32>
    %convert_element_type3A_36 = arith.extui %eq3A_35 : vector<1024x64xi1> to vector<1024x64xi32>
    %convert_element_type3A_37 = arith.sitofp %convert_element_type3A_36 : vector<1024x64xi32> to vector<1024x64xf32>
    %iota3A_38 = tpu.iota {dimensions = array<i32: 0>} : vector<1024x1024xi32>
    %iota3A_39 = tpu.iota {dimensions = array<i32: 1>} : vector<1024x1024xi32>
    %gt3A = arith.cmpi sgt, %iota3A_38, %iota3A_39 : vector<1024x1024xi32>
    %convert_element_type3A_40 = arith.extui %gt3A : vector<1024x1024xi1> to vector<1024x1024xi32>
    %convert_element_type3A_41 = arith.sitofp %convert_element_type3A_40 : vector<1024x1024xi32> to vector<1024x1024xf32>
    %dot_general3A_42 = arith.constant dense<0.000000e+00> : vector<1024x64xf32>
    %dot_general3A_43 = tpu.matmul %convert_element_type3A_41, %convert_element_type3A_37, %dot_general3A_42 {dimension_numbers = #tpu.dot_dimension_numbers<[1], [0], [0], [1], [0, 0, 1, 1], [], []>, transpose_lhs_hint = false} : vector<1024x1024xf32>, vector<1024x64xf32>, vector<1024x64xf32> -> vector<1024x64xf32>
    %mul3A = arith.mulf %dot_general3A_43, %convert_element_type3A_37 : vector<1024x64xf32>
    %reduce_sum3A_44 = arith.constant dense<0.000000e+00> : vector<1024xf32>
    %reduce_sum3A_45 = vector.multi_reduction <add>, %mul3A, %reduce_sum3A_44 [1] : vector<1024x64xf32> to vector<1024xf32>
    %get3A_46 = arith.constant 0 : index
    %get3A_47 = arith.constant 0 : index
    %get3A_48 = vector.load %arg6[%get3A_46, %get3A_47] : memref<1x64xf32, #tpu.memory_space<vmem>>, vector<1x64xf32>
    %get3A_49 = vector.shape_cast %get3A_48 : vector<1x64xf32> to vector<64xf32>
    %broadcast_in_dim3A_50 = vector.shape_cast %get3A_49 : vector<64xf32> to vector<1x64xf32>
    %mul3A_51 = vector.broadcast %broadcast_in_dim3A_50 : vector<1x64xf32> to vector<1024x64xf32>
    %mul3A_52 = arith.mulf %convert_element_type3A_37, %mul3A_51 : vector<1024x64xf32>
    %reduce_sum3A_53 = arith.constant dense<0.000000e+00> : vector<1024xf32>
    %reduce_sum3A_54 = vector.multi_reduction <add>, %mul3A_52, %reduce_sum3A_53 [1] : vector<1024x64xf32> to vector<1024xf32>
    %add3A_55 = arith.addf %reduce_sum3A_45, %reduce_sum3A_54 : vector<1024xf32>
    %get3A_56 = arith.constant 0 : index
    %get3A_57 = arith.constant 0 : index
    %get3A_58 = vector.load %arg6[%get3A_56, %get3A_57] : memref<1x64xf32, #tpu.memory_space<vmem>>, vector<1x64xf32>
    %reduce_sum3A_59 = arith.constant dense<0.000000e+00> : vector<64xf32>
    %reduce_sum3A_60 = vector.multi_reduction <add>, %convert_element_type3A_37, %reduce_sum3A_59 [0] : vector<1024x64xf32> to vector<64xf32>
    %broadcast_in_dim3A_61 = vector.shape_cast %reduce_sum3A_60 : vector<64xf32> to vector<1x64xf32>
    %add3A_62 = arith.addf %get3A_58, %broadcast_in_dim3A_61 : vector<1x64xf32>
    %swap3A_63 = arith.constant 0 : index
    %swap3A_64 = arith.constant 0 : index
    %swap3A_65 = vector.load %arg6[%swap3A_63, %swap3A_64] : memref<1x64xf32, #tpu.memory_space<vmem>>, vector<1x64xf32>
    tpu.vector_store %arg6[%swap3A_63, %swap3A_64], %add3A_62 {strides = array<i32>} : memref<1x64xf32, #tpu.memory_space<vmem>>, vector<1x64xf32>,
    %convert_element_type3A_66 = arith.fptosi %add3A_55 : vector<1024xf32> to vector<1024xi32>
    %lt3A = arith.constant 128 : i32
    %lt3A_67 = vector.broadcast %lt3A : i32 to vector<1024xi32>
    %lt3A_68 = arith.cmpi slt, %convert_element_type3A_66, %lt3A_67 : vector<1024xi32>
    %mul3A_69 = arith.constant 128 : i32
    %mul3A_70 = vector.broadcast %mul3A_69 : i32 to vector<1024xi32>
    %mul3A_71 = arith.muli %reduce_min3A_32, %mul3A_70 : vector<1024xi32>
    %add3A_72 = arith.addi %mul3A_71, %convert_element_type3A_66 : vector<1024xi32>
    %jit3A_73 = arith.constant 8192 : i32
    %broadcast_in_dim3A_74 = vector.broadcast %jit3A_73 : i32 to vector<1024xi32>
    %select_n3A_75 = arith.select %lt3A_68, %add3A_72, %broadcast_in_dim3A_74 : vector<1024xi1>, vector<1024xi32>
    %swap3A_76 = arith.constant 0 : index
    %swap3A_77 = arith.constant 0 : index
    %swap3A_78 = arith.constant 0 : index
    %swap3A_79 = vector.load %arg4[%swap3A_76, %swap3A_77, %swap3A_78] : memref<1x1x1024xi32, #tpu.memory_space<vmem>>, vector<1x1x1024xi32>
    %swap3A_80 = vector.shape_cast %swap3A_79 : vector<1x1x1024xi32> to vector<1024xi32>
    %swap3A_81 = vector.shape_cast %select_n3A_75 : vector<1024xi32> to vector<1x1x1024xi32>
    tpu.vector_store %arg4[%swap3A_76, %swap3A_77, %swap3A_78], %swap3A_81 {strides = array<i32>} : memref<1x1x1024xi32, #tpu.memory_space<vmem>>, vector<1x1x1024xi32>,
    %eq3A_82 = arith.constant 7 : i32
    %eq3A_83 = arith.cmpi eq, %arg0, %eq3A_82 : i32
    %convert_element_type3A_84 = arith.extui %eq3A_83 : i1 to i32
    %cond3A_85 = arith.constant 0 : i32
    %cond3A_86 = arith.cmpi ne, %convert_element_type3A_84, %cond3A_85 : i32
    scf.if %cond3A_86 {
      %get3A_87 = arith.constant 0 : index
      %get3A_88 = arith.constant 0 : index
      %get3A_89 = vector.load %arg6[%get3A_87, %get3A_88] : memref<1x64xf32, #tpu.memory_space<vmem>>, vector<1x64xf32>
      %get3A_90 = vector.shape_cast %get3A_89 : vector<1x64xf32> to vector<64xf32>
      %get3A_91 = arith.constant 0 : index
      %get3A_92 = arith.constant 0 : index
      %get3A_93 = vector.load %arg7[%get3A_91, %get3A_92] : memref<1x64xf32, #tpu.memory_space<vmem>>, vector<1x64xf32>
      %get3A_94 = vector.shape_cast %get3A_93 : vector<1x64xf32> to vector<64xf32>
      %mul3A_95 = arith.mulf %get3A_90, %get3A_94 : vector<64xf32>
      %reduce_sum3A_96 = vector.shape_cast %mul3A_95 : vector<64xf32> to vector<1x64xf32>
      %reduce_sum3A_97 = arith.constant dense<0.000000e+00> : vector<1xf32>
      %reduce_sum3A_98 = vector.multi_reduction <add>, %reduce_sum3A_96, %reduce_sum3A_97 [1] : vector<1x64xf32> to vector<1xf32>
      %reduce_sum3A_99 = vector.shape_cast %reduce_sum3A_98 : vector<1xf32> to vector<1x1xf32>
      %reduce_sum3A_100 = vector.extract %reduce_sum3A_99[0, 0] : f32 from vector<1x1xf32>
      %mul3A_101 = arith.constant 9.53674316E-7 : f32
      %mul3A_102 = arith.mulf %mul3A_101, %reduce_sum3A_100 : f32
      %broadcast_in_dim3A_103 = vector.broadcast %mul3A_102 : f32 to vector<1x128xf32>
      %swap3A_104 = arith.constant 0 : index
      %swap3A_105 = arith.constant 0 : index
      %swap3A_106 = vector.load %arg5[%swap3A_104, %swap3A_105] : memref<1x128xf32, #tpu.memory_space<vmem>>, vector<1x128xf32>
      tpu.vector_store %arg5[%swap3A_104, %swap3A_105], %broadcast_in_dim3A_103 {strides = array<i32>} : memref<1x128xf32, #tpu.memory_space<vmem>>, vector<1x128xf32>,
    } else {
    }
    return
  }
  func.func @transform_0(%arg0: i32) -> (i32, i32) {
    %c0_i32 = arith.constant 0 : i32
    %c0_i32_0 = arith.constant 0 : i32
    return %arg0, %c0_i32 : i32, i32
  }
  func.func @transform_1(%arg0: i32) -> (i32, i32) {
    %c0_i32 = arith.constant 0 : i32
    %c0_i32_0 = arith.constant 0 : i32
    %c0_i32_1 = arith.constant 0 : i32
    return %c0_i32, %c0_i32_0 : i32, i32
  }
  func.func @transform_2(%arg0: i32) -> (i32, i32) {
    %c0_i32 = arith.constant 0 : i32
    %c0_i32_0 = arith.constant 0 : i32
    %c0_i32_1 = arith.constant 0 : i32
    return %c0_i32, %c0_i32_0 : i32, i32
  }
  func.func @transform_3(%arg0: i32) -> (i32, i32, i32) {
    %c0_i32 = arith.constant 0 : i32
    %c0_i32_0 = arith.constant 0 : i32
    %c0_i32_1 = arith.constant 0 : i32
    return %arg0, %c0_i32, %c0_i32_0 : i32, i32, i32
  }
  func.func @transform_4(%arg0: i32) -> (i32, i32) {
    %c0_i32 = arith.constant 0 : i32
    %c0_i32_0 = arith.constant 0 : i32
    %c0_i32_1 = arith.constant 0 : i32
    return %c0_i32, %c0_i32_0 : i32, i32
  }
}

module attributes {stable_mosaic.version = 14 : i64} {
  func.func @_ffn_body(%arg0: i32, %arg1: memref<128x1024xf32, #tpu.memory_space<vmem>>, %arg2: memref<1x1024x1024xf32, #tpu.memory_space<vmem>>, %arg3: memref<1x1024x1024xf32, #tpu.memory_space<vmem>>, %arg4: memref<1x1024x1024xf32, #tpu.memory_space<vmem>>, %arg5: memref<128x1024xf32, #tpu.memory_space<vmem>>) attributes {dimension_semantics = [#tpu.dimension_semantics<arbitrary>], iteration_bounds = array<i64: 65>, scalar_prefetch = 0 : i64, scratch_operands = 0 : i64, tpu.core_type = #tpu.core_type<tc>, window_params = [{transform_indices = @transform_0, window_bounds = array<i64: 128, 1024>}, {transform_indices = @transform_1, window_bounds = array<i64: 1, 1024, 1024>}, {transform_indices = @transform_2, window_bounds = array<i64: 1, 1024, 1024>}, {transform_indices = @transform_3, window_bounds = array<i64: 1, 1024, 1024>}, {transform_indices = @transform_4, window_bounds = array<i64: 128, 1024>}]} {
    %lt3A = arith.constant 64 : i32
    %lt3A_0 = arith.cmpi slt, %arg0, %lt3A : i32
    %convert_element_type3A = arith.extui %lt3A_0 : i1 to i32
    %cond3A = arith.constant 0 : i32
    %cond3A_1 = arith.cmpi ne, %convert_element_type3A, %cond3A : i32
    scf.if %cond3A_1 {
      %get3A = arith.constant 0 : index
      %get3A_6 = arith.constant 0 : index
      %get3A_7 = vector.load %arg1[%get3A, %get3A_6] : memref<128x1024xf32, #tpu.memory_space<vmem>>, vector<128x1024xf32>
      %convert_element_type3A_8 = arith.truncf %get3A_7 : vector<128x1024xf32> to vector<128x1024xbf16>
      %get3A_9 = arith.constant 0 : index
      %get3A_10 = arith.constant 0 : index
      %get3A_11 = arith.constant 0 : index
      %get3A_12 = vector.load %arg2[%get3A_9, %get3A_10, %get3A_11] : memref<1x1024x1024xf32, #tpu.memory_space<vmem>>, vector<1x1024x1024xf32>
      %get3A_13 = vector.shape_cast %get3A_12 : vector<1x1024x1024xf32> to vector<1024x1024xf32>
      %convert_element_type3A_14 = arith.truncf %get3A_13 : vector<1024x1024xf32> to vector<1024x1024xbf16>
      %get3A_15 = arith.constant 0 : index
      %get3A_16 = arith.constant 0 : index
      %get3A_17 = arith.constant 0 : index
      %get3A_18 = vector.load %arg3[%get3A_15, %get3A_16, %get3A_17] : memref<1x1024x1024xf32, #tpu.memory_space<vmem>>, vector<1x1024x1024xf32>
      %get3A_19 = vector.shape_cast %get3A_18 : vector<1x1024x1024xf32> to vector<1024x1024xf32>
      %convert_element_type3A_20 = arith.truncf %get3A_19 : vector<1024x1024xf32> to vector<1024x1024xbf16>
      %get3A_21 = arith.constant 0 : index
      %get3A_22 = arith.constant 0 : index
      %get3A_23 = arith.constant 0 : index
      %get3A_24 = vector.load %arg4[%get3A_21, %get3A_22, %get3A_23] : memref<1x1024x1024xf32, #tpu.memory_space<vmem>>, vector<1x1024x1024xf32>
      %get3A_25 = vector.shape_cast %get3A_24 : vector<1x1024x1024xf32> to vector<1024x1024xf32>
      %convert_element_type3A_26 = arith.truncf %get3A_25 : vector<1024x1024xf32> to vector<1024x1024xbf16>
      %dot_general3A = arith.constant dense<0.000000e+00> : vector<128x1024xf32>
      %dot_general3A_27 = tpu.matmul %convert_element_type3A_8, %convert_element_type3A_14, %dot_general3A {dimension_numbers = #tpu.dot_dimension_numbers<[1], [1], [0], [0], [0, 0, 1, 0], [], []>, transpose_lhs_hint = false} : vector<128x1024xbf16>, vector<1024x1024xbf16>, vector<128x1024xf32> -> vector<128x1024xf32>
      %dot_general3A_28 = arith.constant dense<0.000000e+00> : vector<128x1024xf32>
      %dot_general3A_29 = tpu.matmul %convert_element_type3A_8, %convert_element_type3A_20, %dot_general3A_28 {dimension_numbers = #tpu.dot_dimension_numbers<[1], [1], [0], [0], [0, 0, 1, 0], [], []>, transpose_lhs_hint = false} : vector<128x1024xbf16>, vector<1024x1024xbf16>, vector<128x1024xf32> -> vector<128x1024xf32>
      %logistic3A = arith.negf %dot_general3A_27 : vector<128x1024xf32>
      %logistic3A_30 = math.exp %logistic3A : vector<128x1024xf32>
      %logistic3A_31 = arith.constant 1.000000e+00 : f32
      %logistic3A_32 = vector.broadcast %logistic3A_31 : f32 to vector<128x1024xf32>
      %logistic3A_33 = arith.addf %logistic3A_32, %logistic3A_30 : vector<128x1024xf32>
      %logistic3A_34 = arith.divf %logistic3A_32, %logistic3A_33 : vector<128x1024xf32>
      %mul3A = arith.mulf %dot_general3A_27, %logistic3A_34 : vector<128x1024xf32>
      %mul3A_35 = arith.mulf %mul3A, %dot_general3A_29 : vector<128x1024xf32>
      %convert_element_type3A_36 = arith.truncf %mul3A_35 : vector<128x1024xf32> to vector<128x1024xbf16>
      %dot_general3A_37 = arith.constant dense<0.000000e+00> : vector<128x1024xf32>
      %dot_general3A_38 = tpu.matmul %convert_element_type3A_36, %convert_element_type3A_26, %dot_general3A_37 {dimension_numbers = #tpu.dot_dimension_numbers<[1], [1], [0], [0], [0, 0, 1, 0], [], []>, transpose_lhs_hint = false} : vector<128x1024xbf16>, vector<1024x1024xbf16>, vector<128x1024xf32> -> vector<128x1024xf32>
      %swap3A = arith.constant 0 : index
      %swap3A_39 = arith.constant 0 : index
      %swap3A_40 = vector.load %arg5[%swap3A, %swap3A_39] : memref<128x1024xf32, #tpu.memory_space<vmem>>, vector<128x1024xf32>
      tpu.vector_store %arg5[%swap3A, %swap3A_39], %dot_general3A_38 {strides = array<i32>} : memref<128x1024xf32, #tpu.memory_space<vmem>>, vector<128x1024xf32>,
    } else {
    }
    %eq3A = arith.constant 64 : i32
    %eq3A_2 = arith.cmpi eq, %arg0, %eq3A : i32
    %convert_element_type3A_3 = arith.extui %eq3A_2 : i1 to i32
    %cond3A_4 = arith.constant 0 : i32
    %cond3A_5 = arith.cmpi ne, %convert_element_type3A_3, %cond3A_4 : i32
    scf.if %cond3A_5 {
      %broadcast_in_dim3A = arith.constant 0.000000e+00 : f32
      %broadcast_in_dim3A_6 = vector.broadcast %broadcast_in_dim3A : f32 to vector<128x1024xf32>
      %swap3A = arith.constant 0 : index
      %swap3A_7 = arith.constant 0 : index
      %swap3A_8 = vector.load %arg5[%swap3A, %swap3A_7] : memref<128x1024xf32, #tpu.memory_space<vmem>>, vector<128x1024xf32>
      tpu.vector_store %arg5[%swap3A, %swap3A_7], %broadcast_in_dim3A_6 {strides = array<i32>} : memref<128x1024xf32, #tpu.memory_space<vmem>>, vector<128x1024xf32>,
    } else {
    }
    return
  }
  func.func @transform_0(%arg0: i32) -> (i32, i32) {
    %c0_i32 = arith.constant 0 : i32
    %c0_i32_0 = arith.constant 0 : i32
    return %arg0, %c0_i32 : i32, i32
  }
  func.func @transform_1(%arg0: i32) -> (i32, i32, i32) {
    %min3A = arith.constant 63 : i32
    %min3A_0 = arith.minsi %arg0, %min3A : i32
    %c0_i32 = arith.constant 0 : i32
    %c0_i32_1 = arith.constant 0 : i32
    %c0_i32_2 = arith.constant 0 : i32
    return %min3A_0, %c0_i32, %c0_i32_1 : i32, i32, i32
  }
  func.func @transform_2(%arg0: i32) -> (i32, i32, i32) {
    %min3A = arith.constant 63 : i32
    %min3A_0 = arith.minsi %arg0, %min3A : i32
    %c0_i32 = arith.constant 0 : i32
    %c0_i32_1 = arith.constant 0 : i32
    %c0_i32_2 = arith.constant 0 : i32
    return %min3A_0, %c0_i32, %c0_i32_1 : i32, i32, i32
  }
  func.func @transform_3(%arg0: i32) -> (i32, i32, i32) {
    %min3A = arith.constant 63 : i32
    %min3A_0 = arith.minsi %arg0, %min3A : i32
    %c0_i32 = arith.constant 0 : i32
    %c0_i32_1 = arith.constant 0 : i32
    %c0_i32_2 = arith.constant 0 : i32
    return %min3A_0, %c0_i32, %c0_i32_1 : i32, i32, i32
  }
  func.func @transform_4(%arg0: i32) -> (i32, i32) {
    %c0_i32 = arith.constant 0 : i32
    %c0_i32_0 = arith.constant 0 : i32
    return %arg0, %c0_i32 : i32, i32
  }
}

</mosaic_0001>

<sc_bundles>
// kernel: kernel.6.cloned.1.call-start
scs
__scs_entry_jumppad:
0x0: {  	(pc) =	sbr.rel $0x88, $3  }
0x1: {  	(tag) =	ssettag $0x0;
	lr =	simm.s32 $0x1  }
0x2: {  	[smem:$0x3F9B] =	sst lr;
	_ =	strace $0xD0000000  }
0x3: {  	_ = 	snop  }
0x4: {  	_ = 	snop  }
0x5: {  	_ = 	snop  }
0x6: {  	_ = 	snop  }
0x7: {  	_ = 	snop  }
__scs_overlays_trampoline_lowered:
0x8: {  	[smem:$0x3FAA] =	sst s0  }
0x9: {  	[smem:$0x3FAB] =	sst s1  }
0xa: {  	[smem:$0x3FAC] =	sst s2  }
0xb: {  	[smem:$0x3FAD] =	sst s3  }
0xc: {  	[smem:$0x3FAE] =	sst s4  }
0xd: {  	[smem:$0x3FAF] =	sst s5  }
0xe: {  	[smem:$0x3FB0] =	sst s6  }
0xf: {  	[smem:$0x3FB1] =	sst s7  }
0x10: {  	[smem:$0x3FB2] =	sst s8  }
0x11: {  	[smem:$0x3FB3] =	sst s9;
	s0 =	simm.s32 @!p0 $0x0  }
0x12: {  	s1 =	sld [smem:$0x3F99];
	s0 =	simm.s32 @p0 $0x1  }
0x13: {  	[smem:$0x3FB4] =	sst s0;
	s0 =	simm.s32 @!p1 $0x0  }
0x14: {  	s2 =	sld [smem:$0x3F98];
	s0 =	simm.s32 @p1 $0x1  }
0x15: {  	[smem:$0x3FB5] =	sst s0;
	s0 =	simm.s32 @!p2 $0x0  }
0x16: {  	s3 =	sld [smem:$0x3FDB];
	s0 =	simm.s32 @p2 $0x1  }
0x17: {  	s4 =	simm.s32 $0x1BF5;
	[smem:$0x3FB7] =	sst s0  }
0x18: {  	s0 =	sld [smem:$0x3F9A];
	_ =	swait.ge [sflag:s4], $0x0  }
0x19: {  	s7 =	sld [smem:$0x3F9B]  }
0x1a: {  	s8 =	sadd.s32 $0xFFFFE003, lr  }
0x1b: {  	s9 =	sadd.s32 $0xFFFFFEF7, lr;
	s5 =	simm.s32 $0xFFFFFFFF;
	p2 =	slt.u32 s8, $0xFFFFF086  }
0x1c: {  	p1 =	slt.u32 s9, $0xF7A;
	s5 =	simm.s32 @!p2 $0x0  }
0x1d: {  	s5 =	simm.s32 @p1 $0x1;
	p0 =	seq.s32 s7, s2  }
0x1e: {  	s7 =	smul.u32 @!p0 $0xF7A, s2;
	p2 =	seq.s32 @!p0 s5, $0x0  }
0x1f: {  	s9 =	smul.u32 $0xF7A, s1;
	s8 =	simm.s32 @!p0 $0x1BF5;
	p2 =	por !p2, p0  }
0x20: {  	[sflag:s8] =	ssyncset.s32 @!p0 $0xFFFFF086;
	s6 =	sadd.s32 @!p0 s3, s7;
	s7 =	simm.s32 @!p0 $0x108  }
0x21: {  	s3 =	sadd.s32 s3, s9;
	s6 =	sadd.s32 @!p0 $0x88, s6;
	s7 =	simm.s32 @p2 $0x1082  }
0x22: {  	[simem:s7], [sflag:s8] =	dma.local @!p0 [hbm:s6], $0xF7A  }
0x23: {  	s9 =	sor.u32 $0xD0000000, s2;
	s6 =	simm.s32 $0x108;
	_ =	swait.ge @!p0 [sflag:s8], $0x0  }
0x24: {  	s3 =	sadd.s32 $0x88, s3;
	s6 =	simm.s32 @!p1 $0x1082;
	[sflag:s4] =	ssyncset.s32 $0xFFFFF086  }
0x25: {  	[simem:s6], [sflag:s4] =	dma.local [hbm:s3], $0xF7A  }
0x26: {  	[smem:$0x3F9B] =	sst s1;
	(tag) =	ssettag s2;
	_ =	strace s9  }
0x27: {  	s1 =	sld [smem:$0x3FAB]  }
0x28: {  	s2 =	sld [smem:$0x3FAC]  }
0x29: {  	s4 =	sld [smem:$0x3FAE]  }
0x2a: {  	p0 =	seq.s32 s5, $0x0;
	s5 =	sld [smem:$0x3FAF]  }
0x2b: {  	s6 =	sld [smem:$0x3FB0]  }
0x2c: {  	s7 =	sld [smem:$0x3FB1]  }
0x2d: {  	s3 =	simm.s32 $0x108;
	s8 =	sld [smem:$0x3FB2]  }
0x2e: {  	s3 =	simm.s32 @!p0 $0x1082;
	s9 =	sld [smem:$0x3FB3]  }
0x2f: {  	lr =	sadd.s32 s0, s3;
	s0 =	sld [smem:$0x3FAA]  }
0x30: {  	s3 =	sld [smem:$0x3FAD]  }
0x31: {  	[smem:$0x3FB6] =	sst s10  }
0x32: {  	s10 =	sld [smem:$0x3FB4];
	_ =	sdelay $0x3  }
0x33: {  	p0 =	seq.s32 s10, $0x1;
	s10 =	sld [smem:$0x3FB6];
	_ =	sdelay $0x3  }
0x34: {  	[smem:$0x3FB6] =	sst s10  }
0x35: {  	s10 =	sld [smem:$0x3FB5];
	_ =	sdelay $0x3  }
0x36: {  	p1 =	seq.s32 s10, $0x1;
	s10 =	sld [smem:$0x3FB6];
	_ =	sdelay $0x3  }
0x37: {  	[smem:$0x3FB6] =	sst s10  }
0x38: {  	s10 =	sld [smem:$0x3FB7]  }
0x39: {  	_ = 	snop;
	(pc) =	sbr.ind lr, $3  }
0x3a: {  	_ = 	snop  }
0x3b: {  	_ = 	snop  }
0x3c: {  	p2 =	seq.s32 s10, $0x1;
	s10 =	sld [smem:$0x3FB6]  }
0x3d: {  	_ =	shalt  }
0x3e: {  	_ =	shalt  }
0x3f: {  	_ =	shalt  }
0x40: {  	_ =	shalt  }
0x41: {  	_ =	shalt  }
0x42: {  	_ =	shalt  }
0x43: {  	_ =	shalt  }
0x44: {  	_ =	shalt  }
0x45: {  	_ =	shalt  }
0x46: {  	_ =	shalt  }
0x47: {  	_ =	shalt  }
0x48: {  	_ =	shalt  }
0x49: {  	_ =	shalt  }
0x4a: {  	_ =	shalt  }
0x4b: {  	_ =	shalt  }
0x4c: {  	_ =	shalt  }
0x4d: {  	_ =	shalt  }
0x4e: {  	_ =	shalt  }
0x4f: {  	_ =	shalt  }
0x50: {  	_ =	shalt  }
0x51: {  	_ =	shalt  }
0x52: {  	_ =	shalt  }
0x53: {  	_ =	shalt  }
0x54: {  	_ =	shalt  }
0x55: {  	_ =	shalt  }
0x56: {  	_ =	shalt  }
0x57: {  	_ =	shalt  }
0x58: {  	_ =	shalt  }
0x59: {  	_ =	shalt  }
0x5a: {  	_ =	shalt  }
0x5b: {  	_ =	shalt  }
0x5c: {  	_ =	shalt  }
0x5d: {  	_ =	shalt  }
0x5e: {  	_ =	shalt  }
0x5f: {  	_ =	shalt  }
0x60: {  	_ =	shalt  }
0x61: {  	_ =	shalt  }
0x62: {  	_ =	shalt  }
0x63: {  	_ =	shalt  }
0x64: {  	_ =	shalt  }
0x65: {  	_ =	shalt  }
0x66: {  	_ =	shalt  }
0x67: {  	_ =	shalt  }
0x68: {  	_ =	shalt  }
0x69: {  	_ =	shalt  }
0x6a: {  	_ =	shalt  }
0x6b: {  	_ =	shalt  }
0x6c: {  	_ =	shalt  }
0x6d: {  	_ =	shalt  }
0x6e: {  	_ =	shalt  }
0x6f: {  	_ =	shalt  }
0x70: {  	_ =	shalt  }
0x71: {  	_ =	shalt  }
0x72: {  	_ =	shalt  }
0x73: {  	_ =	shalt  }
0x74: {  	_ =	shalt  }
0x75: {  	_ =	shalt  }
0x76: {  	_ =	shalt  }
0x77: {  	_ =	shalt  }
0x78: {  	_ =	shalt  }
0x79: {  	_ =	shalt  }
0x7a: {  	_ =	shalt  }
0x7b: {  	_ =	shalt  }
0x7c: {  	_ =	shalt  }
0x7d: {  	_ =	shalt  }
0x7e: {  	_ =	shalt  }
0x7f: {  	_ =	shalt  }
0x80: {  	_ =	shalt  }
0x81: {  	_ =	shalt  }
0x82: {  	_ =	shalt  }
0x83: {  	_ =	shalt  }
0x84: {  	_ =	shalt  }
0x85: {  	_ =	shalt  }
0x86: {  	_ =	shalt  }
0x87: {  	_ =	shalt  }
.Lfunc_end0:
.L_simem_size_0:
called_computation_lowered:
.L_overlay_start_0:
0x88: {  	s2 =	sld [smem:$0x3FD9]  }
0x89: {  	s3 =	sld [smem:$0x3FFE];
	_ =	sdelay $0x1  }
0x8a: {  	s1 =	srdreg.scid  }
0x8b: {  	s0 =	sand.u32 $0x1, s1  }
0x8c: {  	s17 =	sshll.u32 s0, $0xA;
	s2 =	sadd.s32 s3, s2  }
0x8d: {  	s2 =	sadd.s32 s2, s17  }
0x8e: {  	[smem:$0x3FC2] =	sst s2  }
0x8f: {  	_ = 	snop  }
0x90: {  	s2 =	sld [smem:$0x3FC9];
	(tm) =	ssettm $0x1  }
0x91: {  	s18 =	sld [smem:$0x3FFB];
	_ =	sdelay $0x3  }
0x92: {  	_ =	strace s18  }
0x93: {  	s3 =	sld [smem:$0x3FFC];
	_ =	sdelay $0x3  }
0x94: {  	_ =	strace s3  }
0x95: {  	s3 =	sld [smem:$0x3FFD];
	_ =	sdelay $0x3  }
0x96: {  	_ =	strace s3  }
0x97: {  	_ =	strace $0x8FFFFFFF  }
0x98: {  	s19 =	sld [smem:$0x3FDB];
	_ =	sdelay $0x1  }
0x99: {  	s4 =	simm.s32 $_scs_section_size  }
0x9a: {  	s5 =	simm.s32 $_size__tile_overlayer_lowered;
	s6 =	simm.s32 $_tile_overlayer_lowered  }
0x9b: {  	s22 =	simm.s32 $0x1BFF;
	s21 =	sshll.u32 s6, $0x1;
	s3 =	sadd.s32 s4, s19  }
0x9c: {  	s7 =	simm.s32 $0x0;
	s20 =	sshll.u32 s5, $0x1;
	s5 =	sadd.s32 s21, s3  }
0x9d: {  	[timem:s7], [sflag:s22] =	dma.local [hbm:s5], s20  }
0x9e: {  	_ =	swait.ge [sflag:s22], s20  }
0x9f: {  	s4 =	ssub.s32 $0x0, s20;
	[sflag:s22] =	ssyncset.done $0x0  }
0xa0: {  	[sflag:s22] =	ssyncadd.s32 s4;
	_ =	sdelay $0x1  }
0xa1: {  	s23 =	simm.s32 $0x1B8B  }
0xa2: {  	_ =	swait.ge [sflag:s23], $0x1  }
0xa3: {  	[sflag:s23] =	ssyncset.done $0x0  }
0xa4: {  	s25 =	simm.s32 $0x1B8E;
	s24 =	sld [smem:$0x3FFE];
	[sflag:s23] =	ssyncadd.s32 $0xFFFFFFFF  }
0xa5: {  	s26 =	simm.s32 $execute0_lowered;
	[smem:$0x3FD2] =	sst s25  }
0xa6: {  	s5 =	sshll.u32 s26, $0x1;
	_ =	strace $0x80000046;
	[dreg:$0x1] =	wrdreg $0xFFFFFFFF  }
0xa7: {  	s28 =	simm.s32 $_size_execute0_lowered;
	s3 =	sadd.s32 s3, s5;
	[dreg:$0x0] =	wrdreg $0x0  }
0xa8: {  	s5 =	sshll.u32 s28, $0x1;
	[dreg:$0x2] =	wrdreg s3  }
0xa9: {  	[dreg:$0x3] =	wrdreg s5  }
0xaa: {  	[dreg:$0x4] =	wrdreg $0xC0  }
0xab: {  	_ =	task [dreg:s7], $0x5FFFF  }
0xac: {  	[dreg:$0x1] =	wrdreg $0xFFFFFFFF  }
0xad: {  	[dreg:$0x0] =	wrdreg $0x60  }
0xae: {  	[dreg:$0x2] =	wrdreg s2  }
0xaf: {  	[dreg:$0x3] =	wrdreg s24  }
0xb0: {  	[dreg:$0x4] =	wrdreg $0x9  }
0xb1: {  	_ =	task.clear_ibuf [dreg:s7], $0x5FFFF;
	_ =	strace $0x90000046  }
0xb2: {  	s29 =	simm.s32 $0x9;
	_ =	strace $0x80000048  }
0xb3: {  	_ =	swait.ge [sflag:s29], $0x1  }
0xb4: {  	[sflag:s29] =	ssyncadd.s32 $0xFFFFFFFF  }
0xb5: {  	_ =	strace $0x90000048  }
0xb6: {  	_ =	sfence  }
0xb7: {  	s30 =	sld [smem:$0x0];
	_ =	sdelay $0x2  }
0xb8: {  	s31 =	sshll.u32 s1, $0xD;
	s1 =	sshrl.u32 s1, $0x2  }
0xb9: {  	s3 =	sand.u32 $0x4000, s31;
	s1 =	sadd.s32 s1, s30  }
0xba: {  	s0 =	sor.u32 s3, s0;
	s1 =	sshll.u32 s1, $0x11  }
0xbb: {  	s0 =	sor.u32 s1, s0  }
0xbc: {  	s0 =	sadd.s32 $0x8F2B, s0  }
0xbd: {  	[sflag:s0] =	ssyncadd.remote.s32 $0x1  }
0xbe: {  	_ =	sfence.sel $0xFFFF  }
0xbf: {  	[dreg:$0x0] =	wrdreg $0xFFFFFFFF;
	(pc) =	sbr.abs _section_cstart, $3  }
0xc0: {  	[dreg:$0x1] =	wrdreg $0xFFFFFFFF  }
0xc1: {  	_ =	task.clear_ibuf [dreg:s7], $0x2FFFF;
	_ =	strace $0x9FFFFFFF  }
0xc2: {  	(tm) =	ssettm $0x7FFFFFFF  }
0xc3: {  	_ =	shalt  }
tec
execute0_lowered:
.L_overlay_start_1:
0x0: {  	(tag) =	ssettag $0x1  }
0x1: {  	s0 =	srdreg.scid  }
0x2: {  	s2 =	stileid.u32;
	s1 =	rddreg [dreg:$0x0]  }
0x3: {  	s3 =	rddreg [dreg:$0x1];
	s30 =	simm.s32 $0x400;
	s11 =	simm.s32 $0x1  }
0x4: {  	s28 =	simm.s32 $0x8400;
	s0 =	sand.u32 $0x1, s0;
	s2 =	sshll.u32 s2, $0x1  }
0x5: {  	s29 =	simm.s32 $0x2;
	s6 =	sadd.s32 $0x1C00, s3;
	s4 =	sor.u32 s0, s2  }
0x6: {  	s2 =	simm.s32 $0x0;
	s5 =	sshll.u32 s4, $0x7;
	s4 =	sshll.u32 s4, $0xF  }
0x7: {  	[smem:$0x7FF] =	sst s2;
	s5 =	sadd.s32 s5, s3;
	s8 =	sadd.s32 s1, s4  }
0x8: {  	_ =	strace $0x80000047;
	s5 =	sadd.s32 $0xA00, s5;
	[dreg:$0xb] =	wrdreg s8  }
0x9: {  	s7 =	sadd.s32 $0x1D00, s3;
	s1 =	sadd.s32 $0x1000, s8;
	[dreg:$0x3] =	wrdreg s5  }
0xa: {  	s0 =	ssub.s32 $0x2, s0;
	s21 =	sadd.s32 $0x2000, s8;
	[dreg:$0x4] =	wrdreg s1  }
0xb: {  	s22 =	sshrl.u32 s0, $0x1;
	s23 =	sadd.s32 $0x3000, s8;
	[dreg:$0x5] =	wrdreg s21  }
0xc: {  	s4 =	sadd.s32 $0x1A00, s3;
	s24 =	sadd.s32 $0x4000, s8;
	[dreg:$0x6] =	wrdreg s23  }
0xd: {  	s0 =	ssub.s32 s0, s22;
	s25 =	sadd.s32 $0x5000, s8;
	[dreg:$0x7] =	wrdreg s24  }
0xe: {  	v2 =	vlaneseq.u32;
	s22 =	simm.s32 $0x4;
	s26 =	sadd.s32 $0x6000, s8;
	[dreg:$0x8] =	wrdreg s25  }
0xf: {  	vm0 =	vmmov $0xffff;
	v1 =	vshrl.u32 v2, $0x3;
	s31 =	sadd.s32 $0x7000, s8;
	s8 =	smax.u32 s0, $0x1;
	[dreg:$0x9] =	wrdreg s26  }
0x10: {  	v0 =	vand.u32 $0x7, v2;
	v2 =	vor.u32 $0x8, v2;
	v1 =	vmul.u32 $0x8, v1;
	s5 =	sadd.s32 $0x1B00, s3;
	[dreg:$0xa] =	wrdreg s31;
	s21 =	simm.s32 $0x3  }
.LBB2_1:
0x11: {  	s23 =	rddreg [dreg:$0x3];
	s0 =	simm.s32 $0x5  }
0x12: {  	[tilespmem:s2], [sflag:$0x5] =	stream.linear.gather [hbm4b:s23+s2], $0x400, $0x38;
	[tilespmem:$0x10400] =	vst v63  }
0x13: {  	_ =	swait.ge [sflag:s0], $0x400  }
0x14: {  	[sflag:s0] =	ssyncset.done $0x0  }
0x15: {  	s1 =	rddreg [dreg:$0xb];
	[sflag:s0] =	ssyncadd.s32 $0xFFFFFC00  }
0x16: {  	[tilespmem:s30], [sflag:$0x1] =	stream.linear.gather [hbm4b:s1+s2], $0x8000, $0x38;
	[tilespmem:$0x10400] =	vst v63  }
0x17: {  	_ =	swait.ge [sflag:s11], $0x8000  }
0x18: {  	[sflag:s11] =	ssyncset.done $0x0  }
0x19: {  	[sflag:s11] =	ssyncadd.s32 $0xFFFF8000  }
0x1a: {  	v3 =	vld [tilespmem:$0x0];
	_ =	sdelay $0x4  }
0x1b: {  	v4 =	vshll.u32 v3, $0x3  }
0x1c: {  	v3 =	vand.u32 $0x7, v3;
	v4 =	vand.u32 $0xFFFFFFC0, v4  }
0x1d: {  	v3 =	vor.u32 v3, v4  }
0x1e: {  	v4 =	vperm.xlane v3, v0;
	_ =	sdelay $0x1  }
0x1f: {  	v4 =	vadd.s32 v1, v4;
	_ =	sdelay $0x4  }
0x20: {  	[hbm4b:s4+s2] =	stream.indirect_vreg.scatter [tilespmem:s30], [sflag:$0x3], $0x80, v4, vm0, $0xb8;
	[tilespmem:$0x10400] =	vst v63  }
0x21: {  	s0 =	simm.s32 $0xC00;
	v3 =	vperm.xlane v3, v2  }
0x22: {  	[hbm4b:s5+s2] =	stream.indirect_vreg.scatter [tilespmem:s0], [sflag:$0x3], $0x80, v4, vm0, $0xb8;
	[tilespmem:$0x10400] =	vst v63  }
0x23: {  	s3 =	simm.s32 $0x1400;
	v3 =	vadd.s32 v1, v3  }
0x24: {  	[hbm4b:s6+s2] =	stream.indirect_vreg.scatter [tilespmem:s3], [sflag:$0x3], $0x80, v4, vm0, $0xb8;
	[tilespmem:$0x10400] =	vst v63  }
0x25: {  	s9 =	simm.s32 $0x1C00  }
0x26: {  	[hbm4b:s7+s2] =	stream.indirect_vreg.scatter [tilespmem:s9], [sflag:$0x3], $0x80, v4, vm0, $0xb8;
	[tilespmem:$0x10400] =	vst v63  }
0x27: {  	s12 =	simm.s32 $0x2400  }
0x28: {  	[hbm4b:s4+s2] =	stream.indirect_vreg.scatter [tilespmem:s12], [sflag:$0x3], $0x80, v3, vm0, $0xb8;
	[tilespmem:$0x10400] =	vst v63  }
0x29: {  	s13 =	simm.s32 $0x2C00  }
0x2a: {  	[hbm4b:s5+s2] =	stream.indirect_vreg.scatter [tilespmem:s13], [sflag:$0x3], $0x80, v3, vm0, $0xb8;
	[tilespmem:$0x10400] =	vst v63  }
0x2b: {  	s14 =	simm.s32 $0x3400  }
0x2c: {  	[hbm4b:s6+s2] =	stream.indirect_vreg.scatter [tilespmem:s14], [sflag:$0x3], $0x80, v3, vm0, $0xb8;
	[tilespmem:$0x10400] =	vst v63  }
0x2d: {  	s15 =	simm.s32 $0x3C00  }
0x2e: {  	[hbm4b:s7+s2] =	stream.indirect_vreg.scatter [tilespmem:s15], [sflag:$0x3], $0x80, v3, vm0, $0xb8;
	[tilespmem:$0x10400] =	vst v63  }
0x2f: {  	v3 =	vld [tilespmem:$0x10];
	_ =	sdelay $0x4  }
0x30: {  	v49 =	vshll.u32 v3, $0x3  }
0x31: {  	v3 =	vand.u32 $0x7, v3;
	v4 =	vand.u32 $0xFFFFFFC0, v49  }
0x32: {  	v3 =	vor.u32 v3, v4  }
0x33: {  	v4 =	vperm.xlane v3, v0;
	_ =	sdelay $0x1  }
0x34: {  	v4 =	vadd.s32 v1, v4;
	_ =	sdelay $0x3  }
0x35: {  	s16 =	simm.s32 $0x4400  }
0x36: {  	[hbm4b:s4+s2] =	stream.indirect_vreg.scatter [tilespmem:s16], [sflag:$0x3], $0x80, v4, vm0, $0xb8;
	[tilespmem:$0x10400] =	vst v63  }
0x37: {  	s17 =	simm.s32 $0x4C00;
	v3 =	vperm.xlane v3, v2  }
0x38: {  	[hbm4b:s5+s2] =	stream.indirect_vreg.scatter [tilespmem:s17], [sflag:$0x3], $0x80, v4, vm0, $0xb8;
	[tilespmem:$0x10400] =	vst v63  }
0x39: {  	s18 =	simm.s32 $0x5400;
	v3 =	vadd.s32 v1, v3  }
0x3a: {  	[hbm4b:s6+s2] =	stream.indirect_vreg.scatter [tilespmem:s18], [sflag:$0x3], $0x80, v4, vm0, $0xb8;
	[tilespmem:$0x10400] =	vst v63  }
0x3b: {  	s19 =	simm.s32 $0x5C00  }
0x3c: {  	[hbm4b:s7+s2] =	stream.indirect_vreg.scatter [tilespmem:s19], [sflag:$0x3], $0x80, v4, vm0, $0xb8;
	[tilespmem:$0x10400] =	vst v63  }
0x3d: {  	s20 =	simm.s32 $0x6400  }
0x3e: {  	[hbm4b:s4+s2] =	stream.indirect_vreg.scatter [tilespmem:s20], [sflag:$0x3], $0x80, v3, vm0, $0xb8;
	[tilespmem:$0x10400] =	vst v63  }
0x3f: {  	s23 =	simm.s32 $0x6C00  }
0x40: {  	[hbm4b:s5+s2] =	stream.indirect_vreg.scatter [tilespmem:s23], [sflag:$0x3], $0x80, v3, vm0, $0xb8;
	[tilespmem:$0x10400] =	vst v63  }
0x41: {  	s24 =	simm.s32 $0x7400  }
0x42: {  	[hbm4b:s6+s2] =	stream.indirect_vreg.scatter [tilespmem:s24], [sflag:$0x3], $0x80, v3, vm0, $0xb8;
	[tilespmem:$0x10400] =	vst v63  }
0x43: {  	s26 =	simm.s32 $0x7C00  }
0x44: {  	[hbm4b:s7+s2] =	stream.indirect_vreg.scatter [tilespmem:s26], [sflag:$0x3], $0x80, v3, vm0, $0xb8;
	[tilespmem:$0x10400] =	vst v63  }
0x45: {  	s25 =	rddreg [dreg:$0x4]  }
0x46: {  	[tilespmem:s28], [sflag:$0x2] =	stream.linear.gather [hbm4b:s25+s2], $0x8000, $0x38;
	[tilespmem:$0x10400] =	vst v63  }
0x47: {  	_ =	swait.ge [sflag:s29], $0x8000  }
0x48: {  	[sflag:s29] =	ssyncset.done $0x0  }
0x49: {  	[sflag:s29] =	ssyncadd.s32 $0xFFFF8000  }
0x4a: {  	v3 =	vld [tilespmem:$0x80];
	_ =	sdelay $0x4  }
0x4b: {  	v50 =	vshll.u32 v3, $0x3  }
0x4c: {  	v3 =	vand.u32 $0x7, v3;
	v4 =	vand.u32 $0xFFFFFFC0, v50  }
0x4d: {  	v3 =	vor.u32 v3, v4  }
0x4e: {  	v4 =	vperm.xlane v3, v0;
	_ =	sdelay $0x1  }
0x4f: {  	v4 =	vadd.s32 v1, v4;
	_ =	sdelay $0x4  }
0x50: {  	[hbm4b:s4+s2] =	stream.indirect_vreg.scatter [tilespmem:s28], [sflag:$0x4], $0x80, v4, vm0, $0xb8;
	[tilespmem:$0x10400] =	vst v63  }
0x51: {  	s31 =	simm.s32 $0x8C00;
	v3 =	vperm.xlane v3, v2  }
0x52: {  	[hbm4b:s5+s2] =	stream.indirect_vreg.scatter [tilespmem:s31], [sflag:$0x4], $0x80, v4, vm0, $0xb8;
	[tilespmem:$0x10400] =	vst v63  }
0x53: {  	s15 =	simm.s32 $0x9400;
	v3 =	vadd.s32 v1, v3  }
0x54: {  	[hbm4b:s6+s2] =	stream.indirect_vreg.scatter [tilespmem:s15], [sflag:$0x4], $0x80, v4, vm0, $0xb8;
	[tilespmem:$0x10400] =	vst v63  }
0x55: {  	s16 =	simm.s32 $0x9C00  }
0x56: {  	[hbm4b:s7+s2] =	stream.indirect_vreg.scatter [tilespmem:s16], [sflag:$0x4], $0x80, v4, vm0, $0xb8;
	[tilespmem:$0x10400] =	vst v63  }
0x57: {  	s17 =	simm.s32 $0xA400  }
0x58: {  	[hbm4b:s4+s2] =	stream.indirect_vreg.scatter [tilespmem:s17], [sflag:$0x4], $0x80, v3, vm0, $0xb8;
	[tilespmem:$0x10400] =	vst v63  }
0x59: {  	s18 =	simm.s32 $0xAC00  }
0x5a: {  	[hbm4b:s5+s2] =	stream.indirect_vreg.scatter [tilespmem:s18], [sflag:$0x4], $0x80, v3, vm0, $0xb8;
	[tilespmem:$0x10400] =	vst v63  }
0x5b: {  	s19 =	simm.s32 $0xB400  }
0x5c: {  	[hbm4b:s6+s2] =	stream.indirect_vreg.scatter [tilespmem:s19], [sflag:$0x4], $0x80, v3, vm0, $0xb8;
	[tilespmem:$0x10400] =	vst v63  }
0x5d: {  	s20 =	simm.s32 $0xBC00  }
0x5e: {  	[hbm4b:s7+s2] =	stream.indirect_vreg.scatter [tilespmem:s20], [sflag:$0x4], $0x80, v3, vm0, $0xb8;
	[tilespmem:$0x10400] =	vst v63  }
0x5f: {  	v3 =	vld [tilespmem:$0x90];
	_ =	sdelay $0x4  }
0x60: {  	v51 =	vshll.u32 v3, $0x3  }
0x61: {  	v3 =	vand.u32 $0x7, v3;
	v4 =	vand.u32 $0xFFFFFFC0, v51  }
0x62: {  	v3 =	vor.u32 v3, v4  }
0x63: {  	v4 =	vperm.xlane v3, v0;
	_ =	sdelay $0x1  }
0x64: {  	v4 =	vadd.s32 v1, v4;
	_ =	sdelay $0x3  }
0x65: {  	s0 =	simm.s32 $0xC400  }
0x66: {  	[hbm4b:s4+s2] =	stream.indirect_vreg.scatter [tilespmem:s0], [sflag:$0x4], $0x80, v4, vm0, $0xb8;
	[tilespmem:$0x10400] =	vst v63  }
0x67: {  	s15 =	simm.s32 $0xCC00;
	v3 =	vperm.xlane v3, v2  }
0x68: {  	[hbm4b:s5+s2] =	stream.indirect_vreg.scatter [tilespmem:s15], [sflag:$0x4], $0x80, v4, vm0, $0xb8;
	[tilespmem:$0x10400] =	vst v63  }
0x69: {  	s16 =	simm.s32 $0xD400;
	v3 =	vadd.s32 v1, v3  }
0x6a: {  	[hbm4b:s6+s2] =	stream.indirect_vreg.scatter [tilespmem:s16], [sflag:$0x4], $0x80, v4, vm0, $0xb8;
	[tilespmem:$0x10400] =	vst v63  }
0x6b: {  	s20 =	simm.s32 $0xDC00  }
0x6c: {  	[hbm4b:s7+s2] =	stream.indirect_vreg.scatter [tilespmem:s20], [sflag:$0x4], $0x80, v4, vm0, $0xb8;
	[tilespmem:$0x10400] =	vst v63  }
0x6d: {  	s0 =	simm.s32 $0xE400  }
0x6e: {  	[hbm4b:s4+s2] =	stream.indirect_vreg.scatter [tilespmem:s0], [sflag:$0x4], $0x80, v3, vm0, $0xb8;
	[tilespmem:$0x10400] =	vst v63  }
0x6f: {  	s15 =	simm.s32 $0xEC00  }
0x70: {  	[hbm4b:s5+s2] =	stream.indirect_vreg.scatter [tilespmem:s15], [sflag:$0x4], $0x80, v3, vm0, $0xb8;
	[tilespmem:$0x10400] =	vst v63  }
0x71: {  	s16 =	simm.s32 $0xF400  }
0x72: {  	[hbm4b:s6+s2] =	stream.indirect_vreg.scatter [tilespmem:s16], [sflag:$0x4], $0x80, v3, vm0, $0xb8;
	[tilespmem:$0x10400] =	vst v63  }
0x73: {  	s20 =	simm.s32 $0xFC00  }
0x74: {  	[hbm4b:s7+s2] =	stream.indirect_vreg.scatter [tilespmem:s20], [sflag:$0x4], $0x80, v3, vm0, $0xb8;
	[tilespmem:$0x10400] =	vst v63  }
0x75: {  	_ =	swait.ge [sflag:s21], $0x8000  }
0x76: {  	[sflag:s21] =	ssyncset.done $0x0  }
0x77: {  	s0 =	rddreg [dreg:$0x5];
	[sflag:s21] =	ssyncadd.s32 $0xFFFF8000  }
0x78: {  	[tilespmem:s30], [sflag:$0x1] =	stream.linear.gather [hbm4b:s0+s2], $0x8000, $0x38;
	[tilespmem:$0x10400] =	vst v63  }
0x79: {  	_ =	swait.ge [sflag:s11], $0x8000  }
0x7a: {  	[sflag:s11] =	ssyncset.done $0x0  }
0x7b: {  	[sflag:s11] =	ssyncadd.s32 $0xFFFF8000  }
0x7c: {  	v3 =	vld [tilespmem:$0x100];
	_ =	sdelay $0x4  }
0x7d: {  	v52 =	vshll.u32 v3, $0x3  }
0x7e: {  	v3 =	vand.u32 $0x7, v3;
	v4 =	vand.u32 $0xFFFFFFC0, v52  }
0x7f: {  	v3 =	vor.u32 v3, v4  }
0x80: {  	v4 =	vperm.xlane v3, v0;
	_ =	sdelay $0x1  }
0x81: {  	v4 =	vadd.s32 v1, v4;
	_ =	sdelay $0x4  }
0x82: {  	[hbm4b:s4+s2] =	stream.indirect_vreg.scatter [tilespmem:s30], [sflag:$0x3], $0x80, v4, vm0, $0xb8;
	[tilespmem:$0x10400] =	vst v63  }
0x83: {  	s10 =	simm.s32 $0xC00;
	v3 =	vperm.xlane v3, v2  }
0x84: {  	[hbm4b:s5+s2] =	stream.indirect_vreg.scatter [tilespmem:s10], [sflag:$0x3], $0x80, v4, vm0, $0xb8;
	[tilespmem:$0x10400] =	vst v63  }
0x85: {  	s1 =	simm.s32 $0x1400;
	v3 =	vadd.s32 v1, v3  }
0x86: {  	[hbm4b:s6+s2] =	stream.indirect_vreg.scatter [tilespmem:s1], [sflag:$0x3], $0x80, v4, vm0, $0xb8;
	[tilespmem:$0x10400] =	vst v63  }
0x87: {  	s10 =	simm.s32 $0x1C00  }
0x88: {  	[hbm4b:s7+s2] =	stream.indirect_vreg.scatter [tilespmem:s10], [sflag:$0x3], $0x80, v4, vm0, $0xb8;
	[tilespmem:$0x10400] =	vst v63  }
0x89: {  	s3 =	simm.s32 $0x2400  }
0x8a: {  	[hbm4b:s4+s2] =	stream.indirect_vreg.scatter [tilespmem:s3], [sflag:$0x3], $0x80, v3, vm0, $0xb8;
	[tilespmem:$0x10400] =	vst v63  }
0x8b: {  	s9 =	simm.s32 $0x2C00  }
0x8c: {  	[hbm4b:s5+s2] =	stream.indirect_vreg.scatter [tilespmem:s9], [sflag:$0x3], $0x80, v3, vm0, $0xb8;
	[tilespmem:$0x10400] =	vst v63  }
0x8d: {  	s3 =	simm.s32 $0x3400  }
0x8e: {  	[hbm4b:s6+s2] =	stream.indirect_vreg.scatter [tilespmem:s3], [sflag:$0x3], $0x80, v3, vm0, $0xb8;
	[tilespmem:$0x10400] =	vst v63  }
0x8f: {  	s12 =	simm.s32 $0x3C00  }
0x90: {  	[hbm4b:s7+s2] =	stream.indirect_vreg.scatter [tilespmem:s12], [sflag:$0x3], $0x80, v3, vm0, $0xb8;
	[tilespmem:$0x10400] =	vst v63  }
0x91: {  	v3 =	vld [tilespmem:$0x110];
	_ =	sdelay $0x4  }
0x92: {  	v53 =	vshll.u32 v3, $0x3  }
0x93: {  	v3 =	vand.u32 $0x7, v3;
	v4 =	vand.u32 $0xFFFFFFC0, v53  }
0x94: {  	v3 =	vor.u32 v3, v4  }
0x95: {  	v4 =	vperm.xlane v3, v0;
	_ =	sdelay $0x1  }
0x96: {  	v4 =	vadd.s32 v1, v4;
	_ =	sdelay $0x3  }
0x97: {  	s13 =	simm.s32 $0x4400  }
0x98: {  	[hbm4b:s4+s2] =	stream.indirect_vreg.scatter [tilespmem:s13], [sflag:$0x3], $0x80, v4, vm0, $0xb8;
	[tilespmem:$0x10400] =	vst v63  }
0x99: {  	s14 =	simm.s32 $0x4C00;
	v3 =	vperm.xlane v3, v2  }
0x9a: {  	[hbm4b:s5+s2] =	stream.indirect_vreg.scatter [tilespmem:s14], [sflag:$0x3], $0x80, v4, vm0, $0xb8;
	[tilespmem:$0x10400] =	vst v63  }
0x9b: {  	s9 =	simm.s32 $0x5400;
	v3 =	vadd.s32 v1, v3  }
0x9c: {  	[hbm4b:s6+s2] =	stream.indirect_vreg.scatter [tilespmem:s9], [sflag:$0x3], $0x80, v4, vm0, $0xb8;
	[tilespmem:$0x10400] =	vst v63  }
0x9d: {  	s12 =	simm.s32 $0x5C00  }
0x9e: {  	[hbm4b:s7+s2] =	stream.indirect_vreg.scatter [tilespmem:s12], [sflag:$0x3], $0x80, v4, vm0, $0xb8;
	[tilespmem:$0x10400] =	vst v63  }
0x9f: {  	s13 =	simm.s32 $0x6400  }
0xa0: {  	[hbm4b:s4+s2] =	stream.indirect_vreg.scatter [tilespmem:s13], [sflag:$0x3], $0x80, v3, vm0, $0xb8;
	[tilespmem:$0x10400] =	vst v63  }
0xa1: {  	s14 =	simm.s32 $0x6C00  }
0xa2: {  	[hbm4b:s5+s2] =	stream.indirect_vreg.scatter [tilespmem:s14], [sflag:$0x3], $0x80, v3, vm0, $0xb8;
	[tilespmem:$0x10400] =	vst v63  }
0xa3: {  	s15 =	simm.s32 $0x7400  }
0xa4: {  	[hbm4b:s6+s2] =	stream.indirect_vreg.scatter [tilespmem:s15], [sflag:$0x3], $0x80, v3, vm0, $0xb8;
	[tilespmem:$0x10400] =	vst v63  }
0xa5: {  	s16 =	simm.s32 $0x7C00  }
0xa6: {  	[hbm4b:s7+s2] =	stream.indirect_vreg.scatter [tilespmem:s16], [sflag:$0x3], $0x80, v3, vm0, $0xb8;
	[tilespmem:$0x10400] =	vst v63  }
0xa7: {  	_ =	swait.ge [sflag:s22], $0x8000  }
0xa8: {  	[sflag:s22] =	ssyncset.done $0x0  }
0xa9: {  	s1 =	rddreg [dreg:$0x6];
	[sflag:s22] =	ssyncadd.s32 $0xFFFF8000  }
0xaa: {  	[tilespmem:s28], [sflag:$0x2] =	stream.linear.gather [hbm4b:s1+s2], $0x8000, $0x38;
	[tilespmem:$0x10400] =	vst v63  }
0xab: {  	_ =	swait.ge [sflag:s29], $0x8000  }
0xac: {  	[sflag:s29] =	ssyncset.done $0x0  }
0xad: {  	[sflag:s29] =	ssyncadd.s32 $0xFFFF8000  }
0xae: {  	v3 =	vld [tilespmem:$0x180];
	_ =	sdelay $0x4  }
0xaf: {  	v54 =	vshll.u32 v3, $0x3  }
0xb0: {  	v3 =	vand.u32 $0x7, v3;
	v4 =	vand.u32 $0xFFFFFFC0, v54  }
0xb1: {  	v3 =	vor.u32 v3, v4  }
0xb2: {  	v4 =	vperm.xlane v3, v0;
	_ =	sdelay $0x1  }
0xb3: {  	v4 =	vadd.s32 v1, v4;
	_ =	sdelay $0x4  }
0xb4: {  	[hbm4b:s4+s2] =	stream.indirect_vreg.scatter [tilespmem:s28], [sflag:$0x4], $0x80, v4, vm0, $0xb8;
	[tilespmem:$0x10400] =	vst v63  }
0xb5: {  	s1 =	simm.s32 $0x8C00;
	v3 =	vperm.xlane v3, v2  }
0xb6: {  	[hbm4b:s5+s2] =	stream.indirect_vreg.scatter [tilespmem:s1], [sflag:$0x4], $0x80, v4, vm0, $0xb8;
	[tilespmem:$0x10400] =	vst v63  }
0xb7: {  	s0 =	simm.s32 $0x9400;
	v3 =	vadd.s32 v1, v3  }
0xb8: {  	[hbm4b:s6+s2] =	stream.indirect_vreg.scatter [tilespmem:s0], [sflag:$0x4], $0x80, v4, vm0, $0xb8;
	[tilespmem:$0x10400] =	vst v63  }
0xb9: {  	s31 =	simm.s32 $0x9C00  }
0xba: {  	[hbm4b:s7+s2] =	stream.indirect_vreg.scatter [tilespmem:s31], [sflag:$0x4], $0x80, v4, vm0, $0xb8;
	[tilespmem:$0x10400] =	vst v63  }
0xbb: {  	s24 =	simm.s32 $0xA400  }
0xbc: {  	[hbm4b:s4+s2] =	stream.indirect_vreg.scatter [tilespmem:s24], [sflag:$0x4], $0x80, v3, vm0, $0xb8;
	[tilespmem:$0x10400] =	vst v63  }
0xbd: {  	s25 =	simm.s32 $0xAC00  }
0xbe: {  	[hbm4b:s5+s2] =	stream.indirect_vreg.scatter [tilespmem:s25], [sflag:$0x4], $0x80, v3, vm0, $0xb8;
	[tilespmem:$0x10400] =	vst v63  }
0xbf: {  	s26 =	simm.s32 $0xB400  }
0xc0: {  	[hbm4b:s6+s2] =	stream.indirect_vreg.scatter [tilespmem:s26], [sflag:$0x4], $0x80, v3, vm0, $0xb8;
	[tilespmem:$0x10400] =	vst v63  }
0xc1: {  	s17 =	simm.s32 $0xBC00  }
0xc2: {  	[hbm4b:s7+s2] =	stream.indirect_vreg.scatter [tilespmem:s17], [sflag:$0x4], $0x80, v3, vm0, $0xb8;
	[tilespmem:$0x10400] =	vst v63  }
0xc3: {  	v3 =	vld [tilespmem:$0x190];
	_ =	sdelay $0x4  }
0xc4: {  	v55 =	vshll.u32 v3, $0x3  }
0xc5: {  	v3 =	vand.u32 $0x7, v3;
	v4 =	vand.u32 $0xFFFFFFC0, v55  }
0xc6: {  	v3 =	vor.u32 v3, v4  }
0xc7: {  	v4 =	vperm.xlane v3, v0;
	_ =	sdelay $0x1  }
0xc8: {  	v4 =	vadd.s32 v1, v4;
	_ =	sdelay $0x3  }
0xc9: {  	s18 =	simm.s32 $0xC400  }
0xca: {  	[hbm4b:s4+s2] =	stream.indirect_vreg.scatter [tilespmem:s18], [sflag:$0x4], $0x80, v4, vm0, $0xb8;
	[tilespmem:$0x10400] =	vst v63  }
0xcb: {  	s19 =	simm.s32 $0xCC00;
	v3 =	vperm.xlane v3, v2  }
0xcc: {  	[hbm4b:s5+s2] =	stream.indirect_vreg.scatter [tilespmem:s19], [sflag:$0x4], $0x80, v4, vm0, $0xb8;
	[tilespmem:$0x10400] =	vst v63  }
0xcd: {  	v3 =	vadd.s32 v1, v3;
	s18 =	simm.s32 $0xD400  }
0xce: {  	[hbm4b:s6+s2] =	stream.indirect_vreg.scatter [tilespmem:s18], [sflag:$0x4], $0x80, v4, vm0, $0xb8;
	[tilespmem:$0x10400] =	vst v63  }
0xcf: {  	s19 =	simm.s32 $0xDC00  }
0xd0: {  	[hbm4b:s7+s2] =	stream.indirect_vreg.scatter [tilespmem:s19], [sflag:$0x4], $0x80, v4, vm0, $0xb8;
	[tilespmem:$0x10400] =	vst v63  }
0xd1: {  	s23 =	simm.s32 $0xE400  }
0xd2: {  	[hbm4b:s4+s2] =	stream.indirect_vreg.scatter [tilespmem:s23], [sflag:$0x4], $0x80, v3, vm0, $0xb8;
	[tilespmem:$0x10400] =	vst v63  }
0xd3: {  	s23 =	simm.s32 $0xEC00  }
0xd4: {  	[hbm4b:s5+s2] =	stream.indirect_vreg.scatter [tilespmem:s23], [sflag:$0x4], $0x80, v3, vm0, $0xb8;
	[tilespmem:$0x10400] =	vst v63  }
0xd5: {  	s23 =	simm.s32 $0xF400  }
0xd6: {  	[hbm4b:s6+s2] =	stream.indirect_vreg.scatter [tilespmem:s23], [sflag:$0x4], $0x80, v3, vm0, $0xb8;
	[tilespmem:$0x10400] =	vst v63  }
0xd7: {  	s20 =	simm.s32 $0xFC00  }
0xd8: {  	[hbm4b:s7+s2] =	stream.indirect_vreg.scatter [tilespmem:s20], [sflag:$0x4], $0x80, v3, vm0, $0xb8;
	[tilespmem:$0x10400] =	vst v63  }
0xd9: {  	_ =	swait.ge [sflag:s21], $0x8000  }
0xda: {  	[sflag:s21] =	ssyncset.done $0x0  }
0xdb: {  	s20 =	rddreg [dreg:$0x7];
	[sflag:s21] =	ssyncadd.s32 $0xFFFF8000  }
0xdc: {  	[tilespmem:s30], [sflag:$0x1] =	stream.linear.gather [hbm4b:s20+s2], $0x8000, $0x38;
	[tilespmem:$0x10400] =	vst v63  }
0xdd: {  	_ =	swait.ge [sflag:s11], $0x8000  }
0xde: {  	[sflag:s11] =	ssyncset.done $0x0  }
0xdf: {  	[sflag:s11] =	ssyncadd.s32 $0xFFFF8000  }
0xe0: {  	v3 =	vld [tilespmem:$0x200];
	_ =	sdelay $0x4  }
0xe1: {  	v56 =	vshll.u32 v3, $0x3  }
0xe2: {  	v3 =	vand.u32 $0x7, v3;
	v4 =	vand.u32 $0xFFFFFFC0, v56  }
0xe3: {  	v3 =	vor.u32 v3, v4  }
0xe4: {  	v4 =	vperm.xlane v3, v0;
	_ =	sdelay $0x1  }
0xe5: {  	v4 =	vadd.s32 v1, v4;
	_ =	sdelay $0x4  }
0xe6: {  	[hbm4b:s4+s2] =	stream.indirect_vreg.scatter [tilespmem:s30], [sflag:$0x3], $0x80, v4, vm0, $0xb8;
	[tilespmem:$0x10400] =	vst v63  }
0xe7: {  	s23 =	simm.s32 $0xC00;
	v3 =	vperm.xlane v3, v2  }
0xe8: {  	[hbm4b:s5+s2] =	stream.indirect_vreg.scatter [tilespmem:s23], [sflag:$0x3], $0x80, v4, vm0, $0xb8;
	[tilespmem:$0x10400] =	vst v63  }
0xe9: {  	v3 =	vadd.s32 v1, v3;
	s23 =	simm.s32 $0x1400  }
0xea: {  	[hbm4b:s6+s2] =	stream.indirect_vreg.scatter [tilespmem:s23], [sflag:$0x3], $0x80, v4, vm0, $0xb8;
	[tilespmem:$0x10400] =	vst v63  }
0xeb: {  	_ = 	snop  }
0xec: {  	[hbm4b:s7+s2] =	stream.indirect_vreg.scatter [tilespmem:s10], [sflag:$0x3], $0x80, v4, vm0, $0xb8;
	[tilespmem:$0x10400] =	vst v63  }
0xed: {  	s23 =	simm.s32 $0x2400  }
0xee: {  	[hbm4b:s4+s2] =	stream.indirect_vreg.scatter [tilespmem:s23], [sflag:$0x3], $0x80, v3, vm0, $0xb8;
	[tilespmem:$0x10400] =	vst v63  }
0xef: {  	s23 =	simm.s32 $0x2C00  }
0xf0: {  	[hbm4b:s5+s2] =	stream.indirect_vreg.scatter [tilespmem:s23], [sflag:$0x3], $0x80, v3, vm0, $0xb8;
	[tilespmem:$0x10400] =	vst v63  }
0xf1: {  	_ = 	snop  }
0xf2: {  	[hbm4b:s6+s2] =	stream.indirect_vreg.scatter [tilespmem:s3], [sflag:$0x3], $0x80, v3, vm0, $0xb8;
	[tilespmem:$0x10400] =	vst v63  }
0xf3: {  	s23 =	simm.s32 $0x3C00  }
0xf4: {  	[hbm4b:s7+s2] =	stream.indirect_vreg.scatter [tilespmem:s23], [sflag:$0x3], $0x80, v3, vm0, $0xb8;
	[tilespmem:$0x10400] =	vst v63  }
0xf5: {  	v3 =	vld [tilespmem:$0x210];
	_ =	sdelay $0x4  }
0xf6: {  	v57 =	vshll.u32 v3, $0x3  }
0xf7: {  	v3 =	vand.u32 $0x7, v3;
	v4 =	vand.u32 $0xFFFFFFC0, v57  }
0xf8: {  	v3 =	vor.u32 v3, v4  }
0xf9: {  	v4 =	vperm.xlane v3, v0;
	_ =	sdelay $0x1  }
0xfa: {  	v4 =	vadd.s32 v1, v4;
	_ =	sdelay $0x3  }
0xfb: {  	s23 =	simm.s32 $0x4400  }
0xfc: {  	[hbm4b:s4+s2] =	stream.indirect_vreg.scatter [tilespmem:s23], [sflag:$0x3], $0x80, v4, vm0, $0xb8;
	[tilespmem:$0x10400] =	vst v63  }
0xfd: {  	v3 =	vperm.xlane v3, v2;
	s23 =	simm.s32 $0x4C00  }
0xfe: {  	[hbm4b:s5+s2] =	stream.indirect_vreg.scatter [tilespmem:s23], [sflag:$0x3], $0x80, v4, vm0, $0xb8;
	[tilespmem:$0x10400] =	vst v63  }
0xff: {  	v3 =	vadd.s32 v1, v3  }
0x100: {  	[hbm4b:s6+s2] =	stream.indirect_vreg.scatter [tilespmem:s9], [sflag:$0x3], $0x80, v4, vm0, $0xb8;
	[tilespmem:$0x10400] =	vst v63  }
0x101: {  	_ = 	snop  }
0x102: {  	[hbm4b:s7+s2] =	stream.indirect_vreg.scatter [tilespmem:s12], [sflag:$0x3], $0x80, v4, vm0, $0xb8;
	[tilespmem:$0x10400] =	vst v63  }
0x103: {  	_ = 	snop  }
0x104: {  	[hbm4b:s4+s2] =	stream.indirect_vreg.scatter [tilespmem:s13], [sflag:$0x3], $0x80, v3, vm0, $0xb8;
	[tilespmem:$0x10400] =	vst v63  }
0x105: {  	_ = 	snop  }
0x106: {  	[hbm4b:s5+s2] =	stream.indirect_vreg.scatter [tilespmem:s14], [sflag:$0x3], $0x80, v3, vm0, $0xb8;
	[tilespmem:$0x10400] =	vst v63  }
0x107: {  	_ = 	snop  }
0x108: {  	[hbm4b:s6+s2] =	stream.indirect_vreg.scatter [tilespmem:s15], [sflag:$0x3], $0x80, v3, vm0, $0xb8;
	[tilespmem:$0x10400] =	vst v63  }
0x109: {  	_ = 	snop  }
0x10a: {  	[hbm4b:s7+s2] =	stream.indirect_vreg.scatter [tilespmem:s16], [sflag:$0x3], $0x80, v3, vm0, $0xb8;
	[tilespmem:$0x10400] =	vst v63  }
0x10b: {  	_ =	swait.ge [sflag:s22], $0x8000  }
0x10c: {  	[sflag:s22] =	ssyncset.done $0x0  }
0x10d: {  	s23 =	rddreg [dreg:$0x8];
	[sflag:s22] =	ssyncadd.s32 $0xFFFF8000  }
0x10e: {  	[tilespmem:s28], [sflag:$0x2] =	stream.linear.gather [hbm4b:s23+s2], $0x8000, $0x38;
	[tilespmem:$0x10400] =	vst v63  }
0x10f: {  	_ =	swait.ge [sflag:s29], $0x8000  }
0x110: {  	[sflag:s29] =	ssyncset.done $0x0  }
0x111: {  	[sflag:s29] =	ssyncadd.s32 $0xFFFF8000  }
0x112: {  	v3 =	vld [tilespmem:$0x280];
	_ =	sdelay $0x4  }
0x113: {  	v58 =	vshll.u32 v3, $0x3  }
0x114: {  	v3 =	vand.u32 $0x7, v3;
	v4 =	vand.u32 $0xFFFFFFC0, v58  }
0x115: {  	v3 =	vor.u32 v3, v4  }
0x116: {  	v4 =	vperm.xlane v3, v0;
	_ =	sdelay $0x1  }
0x117: {  	v4 =	vadd.s32 v1, v4;
	_ =	sdelay $0x4  }
0x118: {  	[hbm4b:s4+s2] =	stream.indirect_vreg.scatter [tilespmem:s28], [sflag:$0x4], $0x80, v4, vm0, $0xb8;
	[tilespmem:$0x10400] =	vst v63  }
0x119: {  	v3 =	vperm.xlane v3, v2  }
0x11a: {  	[hbm4b:s5+s2] =	stream.indirect_vreg.scatter [tilespmem:s1], [sflag:$0x4], $0x80, v4, vm0, $0xb8;
	[tilespmem:$0x10400] =	vst v63  }
0x11b: {  	v3 =	vadd.s32 v1, v3  }
0x11c: {  	[hbm4b:s6+s2] =	stream.indirect_vreg.scatter [tilespmem:s0], [sflag:$0x4], $0x80, v4, vm0, $0xb8;
	[tilespmem:$0x10400] =	vst v63  }
0x11d: {  	s31 =	simm.s32 $0x9C00  }
0x11e: {  	[hbm4b:s7+s2] =	stream.indirect_vreg.scatter [tilespmem:s31], [sflag:$0x4], $0x80, v4, vm0, $0xb8;
	[tilespmem:$0x10400] =	vst v63  }
0x11f: {  	s24 =	simm.s32 $0xA400  }
0x120: {  	[hbm4b:s4+s2] =	stream.indirect_vreg.scatter [tilespmem:s24], [sflag:$0x4], $0x80, v3, vm0, $0xb8;
	[tilespmem:$0x10400] =	vst v63  }
0x121: {  	s25 =	simm.s32 $0xAC00  }
0x122: {  	[hbm4b:s5+s2] =	stream.indirect_vreg.scatter [tilespmem:s25], [sflag:$0x4], $0x80, v3, vm0, $0xb8;
	[tilespmem:$0x10400] =	vst v63  }
0x123: {  	s26 =	simm.s32 $0xB400  }
0x124: {  	[hbm4b:s6+s2] =	stream.indirect_vreg.scatter [tilespmem:s26], [sflag:$0x4], $0x80, v3, vm0, $0xb8;
	[tilespmem:$0x10400] =	vst v63  }
0x125: {  	s26 =	simm.s32 $0xBC00  }
0x126: {  	[hbm4b:s7+s2] =	stream.indirect_vreg.scatter [tilespmem:s26], [sflag:$0x4], $0x80, v3, vm0, $0xb8;
	[tilespmem:$0x10400] =	vst v63  }
0x127: {  	v3 =	vld [tilespmem:$0x290];
	_ =	sdelay $0x4  }
0x128: {  	v59 =	vshll.u32 v3, $0x3  }
0x129: {  	v3 =	vand.u32 $0x7, v3;
	v4 =	vand.u32 $0xFFFFFFC0, v59  }
0x12a: {  	v3 =	vor.u32 v3, v4  }
0x12b: {  	v4 =	vperm.xlane v3, v0;
	_ =	sdelay $0x1  }
0x12c: {  	v4 =	vadd.s32 v1, v4;
	_ =	sdelay $0x3  }
0x12d: {  	s26 =	simm.s32 $0xC400  }
0x12e: {  	[hbm4b:s4+s2] =	stream.indirect_vreg.scatter [tilespmem:s26], [sflag:$0x4], $0x80, v4, vm0, $0xb8;
	[tilespmem:$0x10400] =	vst v63  }
0x12f: {  	v3 =	vperm.xlane v3, v2;
	s26 =	simm.s32 $0xCC00  }
0x130: {  	[hbm4b:s5+s2] =	stream.indirect_vreg.scatter [tilespmem:s26], [sflag:$0x4], $0x80, v4, vm0, $0xb8;
	[tilespmem:$0x10400] =	vst v63  }
0x131: {  	s17 =	simm.s32 $0xD400;
	v3 =	vadd.s32 v1, v3  }
0x132: {  	[hbm4b:s6+s2] =	stream.indirect_vreg.scatter [tilespmem:s17], [sflag:$0x4], $0x80, v4, vm0, $0xb8;
	[tilespmem:$0x10400] =	vst v63  }
0x133: {  	s18 =	simm.s32 $0xDC00  }
0x134: {  	[hbm4b:s7+s2] =	stream.indirect_vreg.scatter [tilespmem:s18], [sflag:$0x4], $0x80, v4, vm0, $0xb8;
	[tilespmem:$0x10400] =	vst v63  }
0x135: {  	s23 =	simm.s32 $0xE400  }
0x136: {  	[hbm4b:s4+s2] =	stream.indirect_vreg.scatter [tilespmem:s23], [sflag:$0x4], $0x80, v3, vm0, $0xb8;
	[tilespmem:$0x10400] =	vst v63  }
0x137: {  	s19 =	simm.s32 $0xEC00  }
0x138: {  	[hbm4b:s5+s2] =	stream.indirect_vreg.scatter [tilespmem:s19], [sflag:$0x4], $0x80, v3, vm0, $0xb8;
	[tilespmem:$0x10400] =	vst v63  }
0x139: {  	s23 =	simm.s32 $0xF400  }
0x13a: {  	[hbm4b:s6+s2] =	stream.indirect_vreg.scatter [tilespmem:s23], [sflag:$0x4], $0x80, v3, vm0, $0xb8;
	[tilespmem:$0x10400] =	vst v63  }
0x13b: {  	s23 =	simm.s32 $0xFC00  }
0x13c: {  	[hbm4b:s7+s2] =	stream.indirect_vreg.scatter [tilespmem:s23], [sflag:$0x4], $0x80, v3, vm0, $0xb8;
	[tilespmem:$0x10400] =	vst v63  }
0x13d: {  	_ =	swait.ge [sflag:s21], $0x8000  }
0x13e: {  	[sflag:s21] =	ssyncset.done $0x0  }
0x13f: {  	s23 =	rddreg [dreg:$0x9];
	[sflag:s21] =	ssyncadd.s32 $0xFFFF8000  }
0x140: {  	[tilespmem:s30], [sflag:$0x1] =	stream.linear.gather [hbm4b:s23+s2], $0x8000, $0x38;
	[tilespmem:$0x10400] =	vst v63  }
0x141: {  	_ =	swait.ge [sflag:s11], $0x8000  }
0x142: {  	[sflag:s11] =	ssyncset.done $0x0  }
0x143: {  	[sflag:s11] =	ssyncadd.s32 $0xFFFF8000  }
0x144: {  	v3 =	vld [tilespmem:$0x300];
	_ =	sdelay $0x4  }
0x145: {  	v60 =	vshll.u32 v3, $0x3  }
0x146: {  	v3 =	vand.u32 $0x7, v3;
	v4 =	vand.u32 $0xFFFFFFC0, v60  }
0x147: {  	v3 =	vor.u32 v3, v4  }
0x148: {  	v4 =	vperm.xlane v3, v0;
	_ =	sdelay $0x1  }
0x149: {  	v4 =	vadd.s32 v1, v4;
	_ =	sdelay $0x4  }
0x14a: {  	[hbm4b:s4+s2] =	stream.indirect_vreg.scatter [tilespmem:s30], [sflag:$0x3], $0x80, v4, vm0, $0xb8;
	[tilespmem:$0x10400] =	vst v63  }
0x14b: {  	s23 =	simm.s32 $0xC00;
	v3 =	vperm.xlane v3, v2  }
0x14c: {  	[hbm4b:s5+s2] =	stream.indirect_vreg.scatter [tilespmem:s23], [sflag:$0x3], $0x80, v4, vm0, $0xb8;
	[tilespmem:$0x10400] =	vst v63  }
0x14d: {  	v3 =	vadd.s32 v1, v3;
	s23 =	simm.s32 $0x1400  }
0x14e: {  	[hbm4b:s6+s2] =	stream.indirect_vreg.scatter [tilespmem:s23], [sflag:$0x3], $0x80, v4, vm0, $0xb8;
	[tilespmem:$0x10400] =	vst v63  }
0x14f: {  	s10 =	simm.s32 $0x1C00  }
0x150: {  	[hbm4b:s7+s2] =	stream.indirect_vreg.scatter [tilespmem:s10], [sflag:$0x3], $0x80, v4, vm0, $0xb8;
	[tilespmem:$0x10400] =	vst v63  }
0x151: {  	s23 =	simm.s32 $0x2400  }
0x152: {  	[hbm4b:s4+s2] =	stream.indirect_vreg.scatter [tilespmem:s23], [sflag:$0x3], $0x80, v3, vm0, $0xb8;
	[tilespmem:$0x10400] =	vst v63  }
0x153: {  	s20 =	simm.s32 $0x2C00  }
0x154: {  	[hbm4b:s5+s2] =	stream.indirect_vreg.scatter [tilespmem:s20], [sflag:$0x3], $0x80, v3, vm0, $0xb8;
	[tilespmem:$0x10400] =	vst v63  }
0x155: {  	s3 =	simm.s32 $0x3400  }
0x156: {  	[hbm4b:s6+s2] =	stream.indirect_vreg.scatter [tilespmem:s3], [sflag:$0x3], $0x80, v3, vm0, $0xb8;
	[tilespmem:$0x10400] =	vst v63  }
0x157: {  	s20 =	simm.s32 $0x3C00  }
0x158: {  	[hbm4b:s7+s2] =	stream.indirect_vreg.scatter [tilespmem:s20], [sflag:$0x3], $0x80, v3, vm0, $0xb8;
	[tilespmem:$0x10400] =	vst v63  }
0x159: {  	v3 =	vld [tilespmem:$0x310];
	_ =	sdelay $0x4  }
0x15a: {  	v61 =	vshll.u32 v3, $0x3  }
0x15b: {  	v3 =	vand.u32 $0x7, v3;
	v4 =	vand.u32 $0xFFFFFFC0, v61  }
0x15c: {  	v3 =	vor.u32 v3, v4  }
0x15d: {  	v4 =	vperm.xlane v3, v0;
	_ =	sdelay $0x1  }
0x15e: {  	v4 =	vadd.s32 v1, v4;
	_ =	sdelay $0x3  }
0x15f: {  	s23 =	simm.s32 $0x4400  }
0x160: {  	[hbm4b:s4+s2] =	stream.indirect_vreg.scatter [tilespmem:s23], [sflag:$0x3], $0x80, v4, vm0, $0xb8;
	[tilespmem:$0x10400] =	vst v63  }
0x161: {  	s10 =	simm.s32 $0x4C00;
	v3 =	vperm.xlane v3, v2  }
0x162: {  	[hbm4b:s5+s2] =	stream.indirect_vreg.scatter [tilespmem:s10], [sflag:$0x3], $0x80, v4, vm0, $0xb8;
	[tilespmem:$0x10400] =	vst v63  }
0x163: {  	s9 =	simm.s32 $0x5400;
	v3 =	vadd.s32 v1, v3  }
0x164: {  	[hbm4b:s6+s2] =	stream.indirect_vreg.scatter [tilespmem:s9], [sflag:$0x3], $0x80, v4, vm0, $0xb8;
	[tilespmem:$0x10400] =	vst v63  }
0x165: {  	s12 =	simm.s32 $0x5C00  }
0x166: {  	[hbm4b:s7+s2] =	stream.indirect_vreg.scatter [tilespmem:s12], [sflag:$0x3], $0x80, v4, vm0, $0xb8;
	[tilespmem:$0x10400] =	vst v63  }
0x167: {  	s13 =	simm.s32 $0x6400  }
0x168: {  	[hbm4b:s4+s2] =	stream.indirect_vreg.scatter [tilespmem:s13], [sflag:$0x3], $0x80, v3, vm0, $0xb8;
	[tilespmem:$0x10400] =	vst v63  }
0x169: {  	s14 =	simm.s32 $0x6C00  }
0x16a: {  	[hbm4b:s5+s2] =	stream.indirect_vreg.scatter [tilespmem:s14], [sflag:$0x3], $0x80, v3, vm0, $0xb8;
	[tilespmem:$0x10400] =	vst v63  }
0x16b: {  	s15 =	simm.s32 $0x7400  }
0x16c: {  	[hbm4b:s6+s2] =	stream.indirect_vreg.scatter [tilespmem:s15], [sflag:$0x3], $0x80, v3, vm0, $0xb8;
	[tilespmem:$0x10400] =	vst v63  }
0x16d: {  	s16 =	simm.s32 $0x7C00  }
0x16e: {  	[hbm4b:s7+s2] =	stream.indirect_vreg.scatter [tilespmem:s16], [sflag:$0x3], $0x80, v3, vm0, $0xb8;
	[tilespmem:$0x10400] =	vst v63  }
0x16f: {  	_ =	swait.ge [sflag:s22], $0x8000  }
0x170: {  	[sflag:s22] =	ssyncset.done $0x0  }
0x171: {  	s16 =	rddreg [dreg:$0xa];
	[sflag:s22] =	ssyncadd.s32 $0xFFFF8000  }
0x172: {  	[tilespmem:s28], [sflag:$0x2] =	stream.linear.gather [hbm4b:s16+s2], $0x8000, $0x38;
	[tilespmem:$0x10400] =	vst v63  }
0x173: {  	_ =	swait.ge [sflag:s29], $0x8000  }
0x174: {  	[sflag:s29] =	ssyncset.done $0x0  }
0x175: {  	[sflag:s29] =	ssyncadd.s32 $0xFFFF8000  }
0x176: {  	v3 =	vld [tilespmem:$0x380];
	_ =	sdelay $0x4  }
0x177: {  	v62 =	vshll.u32 v3, $0x3  }
0x178: {  	v3 =	vand.u32 $0x7, v3;
	v4 =	vand.u32 $0xFFFFFFC0, v62  }
0x179: {  	v3 =	vor.u32 v3, v4  }
0x17a: {  	v4 =	vperm.xlane v3, v0;
	_ =	sdelay $0x1  }
0x17b: {  	v4 =	vadd.s32 v1, v4;
	_ =	sdelay $0x4  }
0x17c: {  	[hbm4b:s4+s2] =	stream.indirect_vreg.scatter [tilespmem:s28], [sflag:$0x4], $0x80, v4, vm0, $0xb8;
	[tilespmem:$0x10400] =	vst v63  }
0x17d: {  	s1 =	simm.s32 $0x8C00;
	v3 =	vperm.xlane v3, v2  }
0x17e: {  	[hbm4b:s5+s2] =	stream.indirect_vreg.scatter [tilespmem:s1], [sflag:$0x4], $0x80, v4, vm0, $0xb8;
	[tilespmem:$0x10400] =	vst v63  }
0x17f: {  	s0 =	simm.s32 $0x9400;
	v3 =	vadd.s32 v1, v3  }
0x180: {  	[hbm4b:s6+s2] =	stream.indirect_vreg.scatter [tilespmem:s0], [sflag:$0x4], $0x80, v4, vm0, $0xb8;
	[tilespmem:$0x10400] =	vst v63  }
0x181: {  	s20 =	simm.s32 $0x9C00  }
0x182: {  	[hbm4b:s7+s2] =	stream.indirect_vreg.scatter [tilespmem:s20], [sflag:$0x4], $0x80, v4, vm0, $0xb8;
	[tilespmem:$0x10400] =	vst v63  }
0x183: {  	s31 =	simm.s32 $0xA400  }
0x184: {  	[hbm4b:s4+s2] =	stream.indirect_vreg.scatter [tilespmem:s31], [sflag:$0x4], $0x80, v3, vm0, $0xb8;
	[tilespmem:$0x10400] =	vst v63  }
0x185: {  	s24 =	simm.s32 $0xAC00  }
0x186: {  	[hbm4b:s5+s2] =	stream.indirect_vreg.scatter [tilespmem:s24], [sflag:$0x4], $0x80, v3, vm0, $0xb8;
	[tilespmem:$0x10400] =	vst v63  }
0x187: {  	s25 =	simm.s32 $0xB400  }
0x188: {  	[hbm4b:s6+s2] =	stream.indirect_vreg.scatter [tilespmem:s25], [sflag:$0x4], $0x80, v3, vm0, $0xb8;
	[tilespmem:$0x10400] =	vst v63  }
0x189: {  	s23 =	simm.s32 $0xBC00  }
0x18a: {  	[hbm4b:s7+s2] =	stream.indirect_vreg.scatter [tilespmem:s23], [sflag:$0x4], $0x80, v3, vm0, $0xb8;
	[tilespmem:$0x10400] =	vst v63  }
0x18b: {  	v3 =	vld [tilespmem:$0x390];
	_ =	sdelay $0x4  }
0x18c: {  	v63 =	vshll.u32 v3, $0x3  }
0x18d: {  	v3 =	vand.u32 $0x7, v3;
	v4 =	vand.u32 $0xFFFFFFC0, v63  }
0x18e: {  	v3 =	vor.u32 v3, v4  }
0x18f: {  	v4 =	vperm.xlane v3, v0;
	_ =	sdelay $0x1  }
0x190: {  	v4 =	vadd.s32 v1, v4;
	_ =	sdelay $0x3  }
0x191: {  	s24 =	simm.s32 $0xC400  }
0x192: {  	[hbm4b:s4+s2] =	stream.indirect_vreg.scatter [tilespmem:s24], [sflag:$0x4], $0x80, v4, vm0, $0xb8;
	[tilespmem:$0x10400] =	vst v63  }
0x193: {  	s25 =	simm.s32 $0xCC00;
	v3 =	vperm.xlane v3, v2  }
0x194: {  	[hbm4b:s5+s2] =	stream.indirect_vreg.scatter [tilespmem:s25], [sflag:$0x4], $0x80, v4, vm0, $0xb8;
	[tilespmem:$0x10400] =	vst v63  }
0x195: {  	s26 =	simm.s32 $0xD400;
	v3 =	vadd.s32 v1, v3  }
0x196: {  	[hbm4b:s6+s2] =	stream.indirect_vreg.scatter [tilespmem:s26], [sflag:$0x4], $0x80, v4, vm0, $0xb8;
	[tilespmem:$0x10400] =	vst v63  }
0x197: {  	s17 =	simm.s32 $0xDC00  }
0x198: {  	[hbm4b:s7+s2] =	stream.indirect_vreg.scatter [tilespmem:s17], [sflag:$0x4], $0x80, v4, vm0, $0xb8;
	[tilespmem:$0x10400] =	vst v63  }
0x199: {  	s26 =	simm.s32 $0xE400  }
0x19a: {  	[hbm4b:s4+s2] =	stream.indirect_vreg.scatter [tilespmem:s26], [sflag:$0x4], $0x80, v3, vm0, $0xb8;
	[tilespmem:$0x10400] =	vst v63  }
0x19b: {  	s18 =	simm.s32 $0xEC00  }
0x19c: {  	[hbm4b:s5+s2] =	stream.indirect_vreg.scatter [tilespmem:s18], [sflag:$0x4], $0x80, v3, vm0, $0xb8;
	[tilespmem:$0x10400] =	vst v63  }
0x19d: {  	s19 =	simm.s32 $0xF400  }
0x19e: {  	[hbm4b:s6+s2] =	stream.indirect_vreg.scatter [tilespmem:s19], [sflag:$0x4], $0x80, v3, vm0, $0xb8;
	[tilespmem:$0x10400] =	vst v63  }
0x19f: {  	s31 =	simm.s32 $0xFC00  }
0x1a0: {  	[hbm4b:s7+s2] =	stream.indirect_vreg.scatter [tilespmem:s31], [sflag:$0x4], $0x80, v3, vm0, $0xb8;
	[tilespmem:$0x10400] =	vst v63  }
0x1a1: {  	p0 =	sne.s32 s8, $0x1;
	_ =	swait.ge [sflag:s21], $0x8000  }
.Ltmp0:
0x1a2: {  	[sflag:s21] =	ssyncset.done $0x0;
	(pc) =	sbr.rel @p0 .LBB2_1-.Ltmp0, $4  }
0x1a3: {  	[sflag:s21] =	ssyncadd.s32 $0xFFFF8000  }
0x1a4: {  	_ =	swait.ge [sflag:s22], $0x8000  }
0x1a5: {  	[sflag:s22] =	ssyncset.done $0x0  }
0x1a6: {  	s8 =	sadd.s32 $0xFFFFFFFF, s8;
	[sflag:s22] =	ssyncadd.s32 $0xFFFF8000  }
0x1a7: {  	_ =	sfence.sel $0x180000  }
0x1a8: {  	[bflag:$0x0] =	sbarrier.arrive $0xFFFF  }
0x1a9: {  	_ =	strace $0x90000047  }
0x1aa: {  	s0 =	stileid.u32;
	[bflag:$0x2] =	sbarrier.arrive $0xFFFF  }
0x1ab: {  	p0 =	sne.s32 s0, $0x0;
	s0 =	rddreg [dreg:$0x2]  }
0x1ac: {  	s0 =	sadd.s32 @!p0 $0x100000, s0  }
0x1ad: {  	[sflag:s0] =	ssyncadd.tile.s32 @!p0 $0x1;
	_ =	shalt  }
.Lfunc_end2:
_tile_overlayer_lowered:
.L_overlay_start_2:
0x1ae: {  	(tag) =	ssettag $0x2  }
0x1af: {  	s0 =	rddreg [dreg:$0x0];
	s2 =	stileid.u32  }
0x1b0: {  	s1 =	rddreg [dreg:$0x1];
	p0 =	sne.s32 s2, $0x0  }
0x1b1: {  	s3 =	rddreg [dreg:$0x2];
	[bflag:$0x3] =	sbarrier.arrive $0xFFFF;
	s2 =	simm.s32 @!p0 $0x1C05  }
0x1b2: {  	[timem:s3], [sflag:s2] =	dma.local @!p0 [hbm:s0], s1  }
0x1b3: {  	s0 =	simm.s32 @!p0 $0x5  }
0x1b4: {  	_ =	swait.ge @!p0 [sflag:s0], s1  }
0x1b5: {  	s1 =	ssub.s32 @!p0 $0x0, s1;
	[sflag:s0] =	ssyncset.done @!p0 $0x0  }
0x1b6: {  	[sflag:s0] =	ssyncadd.s32 @!p0 s1  }
0x1b7: {  	[bflag:$0x3] =	sbarrier.arrive $0xFFFF  }
0x1b8: {  	_ =	shalt  }

// kernel: kernel.9.cloned.1.call-start
scs
__scs_entry_jumppad:
0x0: {  	(pc) =	sbr.rel $0x88, $3  }
0x1: {  	(tag) =	ssettag $0x0;
	lr =	simm.s32 $0x1  }
0x2: {  	[smem:$0x3F9B] =	sst lr;
	_ =	strace $0xD0000000  }
0x3: {  	_ = 	snop  }
0x4: {  	_ = 	snop  }
0x5: {  	_ = 	snop  }
0x6: {  	_ = 	snop  }
0x7: {  	_ = 	snop  }
__scs_overlays_trampoline_lowered:
0x8: {  	[smem:$0x3FAA] =	sst s0  }
0x9: {  	[smem:$0x3FAB] =	sst s1  }
0xa: {  	[smem:$0x3FAC] =	sst s2  }
0xb: {  	[smem:$0x3FAD] =	sst s3  }
0xc: {  	[smem:$0x3FAE] =	sst s4  }
0xd: {  	[smem:$0x3FAF] =	sst s5  }
0xe: {  	[smem:$0x3FB0] =	sst s6  }
0xf: {  	[smem:$0x3FB1] =	sst s7  }
0x10: {  	[smem:$0x3FB2] =	sst s8  }
0x11: {  	[smem:$0x3FB3] =	sst s9;
	s0 =	simm.s32 @!p0 $0x0  }
0x12: {  	s1 =	sld [smem:$0x3F99];
	s0 =	simm.s32 @p0 $0x1  }
0x13: {  	[smem:$0x3FB4] =	sst s0;
	s0 =	simm.s32 @!p1 $0x0  }
0x14: {  	s2 =	sld [smem:$0x3F98];
	s0 =	simm.s32 @p1 $0x1  }
0x15: {  	[smem:$0x3FB5] =	sst s0;
	s0 =	simm.s32 @!p2 $0x0  }
0x16: {  	s3 =	sld [smem:$0x3FDB];
	s0 =	simm.s32 @p2 $0x1  }
0x17: {  	s4 =	simm.s32 $0x1BF5;
	[smem:$0x3FB7] =	sst s0  }
0x18: {  	s0 =	sld [smem:$0x3F9A];
	_ =	swait.ge [sflag:s4], $0x0  }
0x19: {  	s7 =	sld [smem:$0x3F9B]  }
0x1a: {  	s8 =	sadd.s32 $0xFFFFE003, lr  }
0x1b: {  	s9 =	sadd.s32 $0xFFFFFEF7, lr;
	s5 =	simm.s32 $0xFFFFFFFF;
	p2 =	slt.u32 s8, $0xFFFFF086  }
0x1c: {  	p1 =	slt.u32 s9, $0xF7A;
	s5 =	simm.s32 @!p2 $0x0  }
0x1d: {  	s5 =	simm.s32 @p1 $0x1;
	p0 =	seq.s32 s7, s2  }
0x1e: {  	s7 =	smul.u32 @!p0 $0xF7A, s2;
	p2 =	seq.s32 @!p0 s5, $0x0  }
0x1f: {  	s9 =	smul.u32 $0xF7A, s1;
	s8 =	simm.s32 @!p0 $0x1BF5;
	p2 =	por !p2, p0  }
0x20: {  	[sflag:s8] =	ssyncset.s32 @!p0 $0xFFFFF086;
	s6 =	sadd.s32 @!p0 s3, s7;
	s7 =	simm.s32 @!p0 $0x108  }
0x21: {  	s3 =	sadd.s32 s3, s9;
	s6 =	sadd.s32 @!p0 $0x88, s6;
	s7 =	simm.s32 @p2 $0x1082  }
0x22: {  	[simem:s7], [sflag:s8] =	dma.local @!p0 [hbm:s6], $0xF7A  }
0x23: {  	s9 =	sor.u32 $0xD0000000, s2;
	s6 =	simm.s32 $0x108;
	_ =	swait.ge @!p0 [sflag:s8], $0x0  }
0x24: {  	s3 =	sadd.s32 $0x88, s3;
	s6 =	simm.s32 @!p1 $0x1082;
	[sflag:s4] =	ssyncset.s32 $0xFFFFF086  }
0x25: {  	[simem:s6], [sflag:s4] =	dma.local [hbm:s3], $0xF7A  }
0x26: {  	[smem:$0x3F9B] =	sst s1;
	(tag) =	ssettag s2;
	_ =	strace s9  }
0x27: {  	s1 =	sld [smem:$0x3FAB]  }
0x28: {  	s2 =	sld [smem:$0x3FAC]  }
0x29: {  	s4 =	sld [smem:$0x3FAE]  }
0x2a: {  	p0 =	seq.s32 s5, $0x0;
	s5 =	sld [smem:$0x3FAF]  }
0x2b: {  	s6 =	sld [smem:$0x3FB0]  }
0x2c: {  	s7 =	sld [smem:$0x3FB1]  }
0x2d: {  	s3 =	simm.s32 $0x108;
	s8 =	sld [smem:$0x3FB2]  }
0x2e: {  	s3 =	simm.s32 @!p0 $0x1082;
	s9 =	sld [smem:$0x3FB3]  }
0x2f: {  	lr =	sadd.s32 s0, s3;
	s0 =	sld [smem:$0x3FAA]  }
0x30: {  	s3 =	sld [smem:$0x3FAD]  }
0x31: {  	[smem:$0x3FB6] =	sst s10  }
0x32: {  	s10 =	sld [smem:$0x3FB4];
	_ =	sdelay $0x3  }
0x33: {  	p0 =	seq.s32 s10, $0x1;
	s10 =	sld [smem:$0x3FB6];
	_ =	sdelay $0x3  }
0x34: {  	[smem:$0x3FB6] =	sst s10  }
0x35: {  	s10 =	sld [smem:$0x3FB5];
	_ =	sdelay $0x3  }
0x36: {  	p1 =	seq.s32 s10, $0x1;
	s10 =	sld [smem:$0x3FB6];
	_ =	sdelay $0x3  }
0x37: {  	[smem:$0x3FB6] =	sst s10  }
0x38: {  	s10 =	sld [smem:$0x3FB7]  }
0x39: {  	_ = 	snop;
	(pc) =	sbr.ind lr, $3  }
0x3a: {  	_ = 	snop  }
0x3b: {  	_ = 	snop  }
0x3c: {  	p2 =	seq.s32 s10, $0x1;
	s10 =	sld [smem:$0x3FB6]  }
0x3d: {  	_ =	shalt  }
0x3e: {  	_ =	shalt  }
0x3f: {  	_ =	shalt  }
0x40: {  	_ =	shalt  }
0x41: {  	_ =	shalt  }
0x42: {  	_ =	shalt  }
0x43: {  	_ =	shalt  }
0x44: {  	_ =	shalt  }
0x45: {  	_ =	shalt  }
0x46: {  	_ =	shalt  }
0x47: {  	_ =	shalt  }
0x48: {  	_ =	shalt  }
0x49: {  	_ =	shalt  }
0x4a: {  	_ =	shalt  }
0x4b: {  	_ =	shalt  }
0x4c: {  	_ =	shalt  }
0x4d: {  	_ =	shalt  }
0x4e: {  	_ =	shalt  }
0x4f: {  	_ =	shalt  }
0x50: {  	_ =	shalt  }
0x51: {  	_ =	shalt  }
0x52: {  	_ =	shalt  }
0x53: {  	_ =	shalt  }
0x54: {  	_ =	shalt  }
0x55: {  	_ =	shalt  }
0x56: {  	_ =	shalt  }
0x57: {  	_ =	shalt  }
0x58: {  	_ =	shalt  }
0x59: {  	_ =	shalt  }
0x5a: {  	_ =	shalt  }
0x5b: {  	_ =	shalt  }
0x5c: {  	_ =	shalt  }
0x5d: {  	_ =	shalt  }
0x5e: {  	_ =	shalt  }
0x5f: {  	_ =	shalt  }
0x60: {  	_ =	shalt  }
0x61: {  	_ =	shalt  }
0x62: {  	_ =	shalt  }
0x63: {  	_ =	shalt  }
0x64: {  	_ =	shalt  }
0x65: {  	_ =	shalt  }
0x66: {  	_ =	shalt  }
0x67: {  	_ =	shalt  }
0x68: {  	_ =	shalt  }
0x69: {  	_ =	shalt  }
0x6a: {  	_ =	shalt  }
0x6b: {  	_ =	shalt  }
0x6c: {  	_ =	shalt  }
0x6d: {  	_ =	shalt  }
0x6e: {  	_ =	shalt  }
0x6f: {  	_ =	shalt  }
0x70: {  	_ =	shalt  }
0x71: {  	_ =	shalt  }
0x72: {  	_ =	shalt  }
0x73: {  	_ =	shalt  }
0x74: {  	_ =	shalt  }
0x75: {  	_ =	shalt  }
0x76: {  	_ =	shalt  }
0x77: {  	_ =	shalt  }
0x78: {  	_ =	shalt  }
0x79: {  	_ =	shalt  }
0x7a: {  	_ =	shalt  }
0x7b: {  	_ =	shalt  }
0x7c: {  	_ =	shalt  }
0x7d: {  	_ =	shalt  }
0x7e: {  	_ =	shalt  }
0x7f: {  	_ =	shalt  }
0x80: {  	_ =	shalt  }
0x81: {  	_ =	shalt  }
0x82: {  	_ =	shalt  }
0x83: {  	_ =	shalt  }
0x84: {  	_ =	shalt  }
0x85: {  	_ =	shalt  }
0x86: {  	_ =	shalt  }
0x87: {  	_ =	shalt  }
.Lfunc_end0:
.L_simem_size_0:
called_computation.1_lowered:
.L_overlay_start_0:
0x88: {  	s2 =	sld [smem:$0x3FD9]  }
0x89: {  	s3 =	sld [smem:$0x3FFE];
	_ =	sdelay $0x1  }
0x8a: {  	s1 =	srdreg.scid  }
0x8b: {  	s0 =	sand.u32 $0x1, s1  }
0x8c: {  	s14 =	sshll.u32 s0, $0xA;
	s2 =	sadd.s32 s3, s2  }
0x8d: {  	s2 =	sadd.s32 s2, s14  }
0x8e: {  	[smem:$0x3FC2] =	sst s2  }
0x8f: {  	_ = 	snop  }
0x90: {  	s2 =	sld [smem:$0x3FD0];
	_ =	sdelay $0x2  }
0x91: {  	s15 =	simm.s32 $0xA;
	s4 =	simm.s32 $0x10  }
0x92: {  	[smem:s4], [sflag:s15] =	dma.local [hbm:s2], $0x1  }
0x93: {  	_ =	swait.eq [sflag:s15], $0x1  }
0x94: {  	[sflag:s15] =	ssyncset.done $0x0  }
0x95: {  	[sflag:s15] =	ssyncadd.s32 $0xFFFFFFFF  }
0x96: {  	s16 =	sld [smem:$0x10];
	(tm) =	ssettm $0x1  }
0x97: {  	s17 =	sld [smem:$0x3FFB];
	_ =	sdelay $0x3  }
0x98: {  	_ =	strace s17  }
0x99: {  	s3 =	sld [smem:$0x3FFC];
	_ =	sdelay $0x3  }
0x9a: {  	_ =	strace s3  }
0x9b: {  	s3 =	sld [smem:$0x3FFD];
	_ =	sdelay $0x3  }
0x9c: {  	_ =	strace s3  }
0x9d: {  	_ =	strace $0x8FFFFFFF  }
0x9e: {  	s18 =	sld [smem:$0x3FDB];
	_ =	sdelay $0x1  }
0x9f: {  	s19 =	simm.s32 $_scs_section_size  }
0xa0: {  	s5 =	simm.s32 $_size__tile_overlayer_lowered;
	s6 =	simm.s32 $_tile_overlayer_lowered  }
0xa1: {  	s22 =	simm.s32 $0x1BFF;
	s21 =	sshll.u32 s6, $0x1;
	s3 =	sadd.s32 s19, s18  }
0xa2: {  	s7 =	simm.s32 $0x0;
	s20 =	sshll.u32 s5, $0x1;
	s5 =	sadd.s32 s21, s3  }
0xa3: {  	[timem:s7], [sflag:s22] =	dma.local [hbm:s5], s20  }
0xa4: {  	_ =	swait.ge [sflag:s22], s20  }
0xa5: {  	s4 =	ssub.s32 $0x0, s20;
	[sflag:s22] =	ssyncset.done $0x0  }
0xa6: {  	[sflag:s22] =	ssyncadd.s32 s4;
	_ =	sdelay $0x1  }
0xa7: {  	s23 =	simm.s32 $0x1B8B  }
0xa8: {  	_ =	swait.ge [sflag:s23], $0x1  }
0xa9: {  	[sflag:s23] =	ssyncset.done $0x0  }
0xaa: {  	s25 =	simm.s32 $0x1B8E;
	s24 =	sld [smem:$0x3FFE];
	[sflag:s23] =	ssyncadd.s32 $0xFFFFFFFF  }
0xab: {  	s26 =	simm.s32 $execute0_lowered;
	[smem:$0x3FD2] =	sst s25  }
0xac: {  	s5 =	sshll.u32 s26, $0x1;
	_ =	strace $0x80000049;
	[dreg:$0x1] =	wrdreg $0xFFFFFFFF  }
0xad: {  	s28 =	simm.s32 $_size_execute0_lowered;
	s3 =	sadd.s32 s3, s5;
	[dreg:$0x0] =	wrdreg $0x0  }
0xae: {  	s5 =	sshll.u32 s28, $0x1;
	[dreg:$0x2] =	wrdreg s3  }
0xaf: {  	[dreg:$0x3] =	wrdreg s5  }
0xb0: {  	[dreg:$0x4] =	wrdreg $0xC0  }
0xb1: {  	_ =	task [dreg:s7], $0x5FFFF  }
0xb2: {  	[dreg:$0x1] =	wrdreg $0xFFFFFFFF  }
0xb3: {  	[dreg:$0x0] =	wrdreg $0x60  }
0xb4: {  	[dreg:$0x2] =	wrdreg s24  }
0xb5: {  	[dreg:$0x3] =	wrdreg s16  }
0xb6: {  	[dreg:$0x4] =	wrdreg $0x9  }
0xb7: {  	_ =	task.clear_ibuf [dreg:s7], $0x5FFFF;
	_ =	strace $0x90000049  }
0xb8: {  	s29 =	simm.s32 $0x9;
	_ =	strace $0x8000004B  }
0xb9: {  	_ =	swait.ge [sflag:s29], $0x1  }
0xba: {  	[sflag:s29] =	ssyncadd.s32 $0xFFFFFFFF  }
0xbb: {  	_ =	strace $0x9000004B  }
0xbc: {  	_ =	sfence  }
0xbd: {  	s30 =	sld [smem:$0x0];
	_ =	sdelay $0x2  }
0xbe: {  	s31 =	sshll.u32 s1, $0xD;
	s1 =	sshrl.u32 s1, $0x2  }
0xbf: {  	s3 =	sand.u32 $0x4000, s31;
	s1 =	sadd.s32 s1, s30  }
0xc0: {  	s0 =	sor.u32 s3, s0;
	s1 =	sshll.u32 s1, $0x11  }
0xc1: {  	s0 =	sor.u32 s1, s0  }
0xc2: {  	s0 =	sadd.s32 $0x8F2B, s0  }
0xc3: {  	[sflag:s0] =	ssyncadd.remote.s32 $0x1  }
0xc4: {  	_ =	sfence.sel $0xFFFF  }
0xc5: {  	[dreg:$0x0] =	wrdreg $0xFFFFFFFF;
	(pc) =	sbr.abs _section_cstart, $3  }
0xc6: {  	[dreg:$0x1] =	wrdreg $0xFFFFFFFF  }
0xc7: {  	_ =	task.clear_ibuf [dreg:s7], $0x2FFFF;
	_ =	strace $0x9FFFFFFF  }
0xc8: {  	(tm) =	ssettm $0x7FFFFFFF  }
0xc9: {  	_ =	shalt  }
tec
execute0_lowered:
.L_overlay_start_1:
0x0: {  	(tag) =	ssettag $0x1  }
0x1: {  	s0 =	srdreg.scid  }
0x2: {  	s2 =	stileid.u32;
	s1 =	rddreg [dreg:$0x0]  }
0x3: {  	s3 =	rddreg [dreg:$0x1];
	s29 =	simm.s32 $0x400;
	s28 =	simm.s32 $0x8400  }
0x4: {  	s19 =	simm.s32 $0x2;
	s0 =	sand.u32 $0x1, s0;
	s2 =	sshll.u32 s2, $0x1  }
0x5: {  	s20 =	simm.s32 $0x3;
	s21 =	simm.s32 $0x4;
	s4 =	sor.u32 s0, s2  }
0x6: {  	s2 =	simm.s32 $0x0;
	s5 =	sshll.u32 s4, $0x7;
	s4 =	sshll.u32 s4, $0xF  }
0x7: {  	[smem:$0x7FF] =	sst s2;
	s5 =	sadd.s32 s5, s1;
	s8 =	sadd.s32 s3, s4  }
0x8: {  	_ =	strace $0x8000004A;
	s5 =	sadd.s32 $0xA00, s5;
	[dreg:$0xb] =	wrdreg s8  }
0x9: {  	s6 =	sadd.s32 $0x105C00, s1;
	s3 =	sadd.s32 $0x1000, s8;
	[dreg:$0x3] =	wrdreg s5  }
0xa: {  	s7 =	sadd.s32 $0x105D00, s1;
	s22 =	sadd.s32 $0x2000, s8;
	[dreg:$0x4] =	wrdreg s3  }
0xb: {  	s0 =	ssub.s32 $0x2, s0;
	s24 =	sadd.s32 $0x3000, s8;
	[dreg:$0x5] =	wrdreg s22  }
0xc: {  	s23 =	sshrl.u32 s0, $0x1;
	s25 =	sadd.s32 $0x4000, s8;
	[dreg:$0x6] =	wrdreg s24  }
0xd: {  	s4 =	sadd.s32 $0x105A00, s1;
	s26 =	sadd.s32 $0x5000, s8;
	[dreg:$0x7] =	wrdreg s25  }
0xe: {  	v2 =	vlaneseq.u32;
	s0 =	ssub.s32 s0, s23;
	s30 =	sadd.s32 $0x6000, s8;
	[dreg:$0x8] =	wrdreg s26  }
0xf: {  	vm0 =	vmmov $0xffff;
	v1 =	vshrl.u32 v2, $0x3;
	s31 =	sadd.s32 $0x7000, s8;
	s8 =	smax.u32 s0, $0x1;
	[dreg:$0x9] =	wrdreg s30  }
0x10: {  	v0 =	vand.u32 $0x7, v2;
	v2 =	vor.u32 $0x8, v2;
	v1 =	vmul.u32 $0x8, v1;
	s5 =	sadd.s32 $0x105B00, s1;
	[dreg:$0xa] =	wrdreg s31;
	s26 =	simm.s32 $0x1  }
.LBB2_1:
0x11: {  	s22 =	rddreg [dreg:$0x3];
	s13 =	simm.s32 $0x5  }
0x12: {  	[tilespmem:s2], [sflag:$0x5] =	stream.linear.gather [hbm4b:s22+s2], $0x400, $0x38;
	[tilespmem:$0x10400] =	vst v63  }
0x13: {  	_ =	swait.ge [sflag:s13], $0x400  }
0x14: {  	[sflag:s13] =	ssyncset.done $0x0  }
0x15: {  	[sflag:s13] =	ssyncadd.s32 $0xFFFFFC00  }
0x16: {  	v3 =	vld [tilespmem:$0x0];
	_ =	sdelay $0x4  }
0x17: {  	v4 =	vshll.u32 v3, $0x3  }
0x18: {  	v3 =	vand.u32 $0x7, v3;
	v4 =	vand.u32 $0xFFFFFFC0, v4  }
0x19: {  	v3 =	vor.u32 v3, v4  }
0x1a: {  	v4 =	vperm.xlane v3, v0;
	_ =	sdelay $0x1  }
0x1b: {  	v4 =	vadd.s32 v1, v4;
	_ =	sdelay $0x4  }
0x1c: {  	[tilespmem:s29], [sflag:$0x1] =	stream.indirect_vreg.gather [hbm4b:s4+s2], $0x80, v4, vm0, $0xb8;
	[tilespmem:$0x10400] =	vst v63  }
0x1d: {  	s0 =	simm.s32 $0xC00;
	v3 =	vperm.xlane v3, v2  }
0x1e: {  	[tilespmem:s0], [sflag:$0x1] =	stream.indirect_vreg.gather [hbm4b:s5+s2], $0x80, v4, vm0, $0xb8;
	[tilespmem:$0x10400] =	vst v63  }
0x1f: {  	s14 =	simm.s32 $0x1400;
	v3 =	vadd.s32 v1, v3  }
0x20: {  	[tilespmem:s14], [sflag:$0x1] =	stream.indirect_vreg.gather [hbm4b:s6+s2], $0x80, v4, vm0, $0xb8;
	[tilespmem:$0x10400] =	vst v63  }
0x21: {  	s15 =	simm.s32 $0x1C00  }
0x22: {  	[tilespmem:s15], [sflag:$0x1] =	stream.indirect_vreg.gather [hbm4b:s7+s2], $0x80, v4, vm0, $0xb8;
	[tilespmem:$0x10400] =	vst v63  }
0x23: {  	s16 =	simm.s32 $0x2400  }
0x24: {  	[tilespmem:s16], [sflag:$0x1] =	stream.indirect_vreg.gather [hbm4b:s4+s2], $0x80, v3, vm0, $0xb8;
	[tilespmem:$0x10400] =	vst v63  }
0x25: {  	s17 =	simm.s32 $0x2C00  }
0x26: {  	[tilespmem:s17], [sflag:$0x1] =	stream.indirect_vreg.gather [hbm4b:s5+s2], $0x80, v3, vm0, $0xb8;
	[tilespmem:$0x10400] =	vst v63  }
0x27: {  	s18 =	simm.s32 $0x3400  }
0x28: {  	[tilespmem:s18], [sflag:$0x1] =	stream.indirect_vreg.gather [hbm4b:s6+s2], $0x80, v3, vm0, $0xb8;
	[tilespmem:$0x10400] =	vst v63  }
0x29: {  	s22 =	simm.s32 $0x3C00  }
0x2a: {  	[tilespmem:s22], [sflag:$0x1] =	stream.indirect_vreg.gather [hbm4b:s7+s2], $0x80, v3, vm0, $0xb8;
	[tilespmem:$0x10400] =	vst v63  }
0x2b: {  	v3 =	vld [tilespmem:$0x10];
	_ =	sdelay $0x4  }
0x2c: {  	v49 =	vshll.u32 v3, $0x3  }
0x2d: {  	v3 =	vand.u32 $0x7, v3;
	v4 =	vand.u32 $0xFFFFFFC0, v49  }
0x2e: {  	v3 =	vor.u32 v3, v4  }
0x2f: {  	v4 =	vperm.xlane v3, v0;
	_ =	sdelay $0x1  }
0x30: {  	v4 =	vadd.s32 v1, v4;
	_ =	sdelay $0x3  }
0x31: {  	s23 =	simm.s32 $0x4400  }
0x32: {  	[tilespmem:s23], [sflag:$0x1] =	stream.indirect_vreg.gather [hbm4b:s4+s2], $0x80, v4, vm0, $0xb8;
	[tilespmem:$0x10400] =	vst v63  }
0x33: {  	s24 =	simm.s32 $0x4C00;
	v3 =	vperm.xlane v3, v2  }
0x34: {  	[tilespmem:s24], [sflag:$0x1] =	stream.indirect_vreg.gather [hbm4b:s5+s2], $0x80, v4, vm0, $0xb8;
	[tilespmem:$0x10400] =	vst v63  }
0x35: {  	s25 =	simm.s32 $0x5400;
	v3 =	vadd.s32 v1, v3  }
0x36: {  	[tilespmem:s25], [sflag:$0x1] =	stream.indirect_vreg.gather [hbm4b:s6+s2], $0x80, v4, vm0, $0xb8;
	[tilespmem:$0x10400] =	vst v63  }
0x37: {  	s30 =	simm.s32 $0x5C00  }
0x38: {  	[tilespmem:s30], [sflag:$0x1] =	stream.indirect_vreg.gather [hbm4b:s7+s2], $0x80, v4, vm0, $0xb8;
	[tilespmem:$0x10400] =	vst v63  }
0x39: {  	s31 =	simm.s32 $0x6400  }
0x3a: {  	[tilespmem:s31], [sflag:$0x1] =	stream.indirect_vreg.gather [hbm4b:s4+s2], $0x80, v3, vm0, $0xb8;
	[tilespmem:$0x10400] =	vst v63  }
0x3b: {  	s14 =	simm.s32 $0x6C00  }
0x3c: {  	[tilespmem:s14], [sflag:$0x1] =	stream.indirect_vreg.gather [hbm4b:s5+s2], $0x80, v3, vm0, $0xb8;
	[tilespmem:$0x10400] =	vst v63  }
0x3d: {  	s15 =	simm.s32 $0x7400  }
0x3e: {  	[tilespmem:s15], [sflag:$0x1] =	stream.indirect_vreg.gather [hbm4b:s6+s2], $0x80, v3, vm0, $0xb8;
	[tilespmem:$0x10400] =	vst v63  }
0x3f: {  	s16 =	simm.s32 $0x7C00  }
0x40: {  	[tilespmem:s16], [sflag:$0x1] =	stream.indirect_vreg.gather [hbm4b:s7+s2], $0x80, v3, vm0, $0xb8;
	[tilespmem:$0x10400] =	vst v63  }
0x41: {  	_ =	swait.ge [sflag:s26], $0x8000  }
0x42: {  	[sflag:s26] =	ssyncset.done $0x0  }
0x43: {  	s17 =	rddreg [dreg:$0xb];
	[sflag:s26] =	ssyncadd.s32 $0xFFFF8000  }
0x44: {  	[hbm4b:s17+s2] =	stream.linear.scatter [tilespmem:s29], [sflag:$0x3], $0x8000, $0x38;
	[tilespmem:$0x10400] =	vst v63  }
0x45: {  	v3 =	vld [tilespmem:$0x80];
	_ =	sdelay $0x4  }
0x46: {  	v50 =	vshll.u32 v3, $0x3  }
0x47: {  	v3 =	vand.u32 $0x7, v3;
	v4 =	vand.u32 $0xFFFFFFC0, v50  }
0x48: {  	v3 =	vor.u32 v3, v4  }
0x49: {  	v4 =	vperm.xlane v3, v0;
	_ =	sdelay $0x1  }
0x4a: {  	v4 =	vadd.s32 v1, v4;
	_ =	sdelay $0x4  }
0x4b: {  	[tilespmem:s28], [sflag:$0x2] =	stream.indirect_vreg.gather [hbm4b:s4+s2], $0x80, v4, vm0, $0xb8;
	[tilespmem:$0x10400] =	vst v63  }
0x4c: {  	s18 =	simm.s32 $0x8C00;
	v3 =	vperm.xlane v3, v2  }
0x4d: {  	[tilespmem:s18], [sflag:$0x2] =	stream.indirect_vreg.gather [hbm4b:s5+s2], $0x80, v4, vm0, $0xb8;
	[tilespmem:$0x10400] =	vst v63  }
0x4e: {  	s22 =	simm.s32 $0x9400;
	v3 =	vadd.s32 v1, v3  }
0x4f: {  	[tilespmem:s22], [sflag:$0x2] =	stream.indirect_vreg.gather [hbm4b:s6+s2], $0x80, v4, vm0, $0xb8;
	[tilespmem:$0x10400] =	vst v63  }
0x50: {  	s23 =	simm.s32 $0x9C00  }
0x51: {  	[tilespmem:s23], [sflag:$0x2] =	stream.indirect_vreg.gather [hbm4b:s7+s2], $0x80, v4, vm0, $0xb8;
	[tilespmem:$0x10400] =	vst v63  }
0x52: {  	s24 =	simm.s32 $0xA400  }
0x53: {  	[tilespmem:s24], [sflag:$0x2] =	stream.indirect_vreg.gather [hbm4b:s4+s2], $0x80, v3, vm0, $0xb8;
	[tilespmem:$0x10400] =	vst v63  }
0x54: {  	s25 =	simm.s32 $0xAC00  }
0x55: {  	[tilespmem:s25], [sflag:$0x2] =	stream.indirect_vreg.gather [hbm4b:s5+s2], $0x80, v3, vm0, $0xb8;
	[tilespmem:$0x10400] =	vst v63  }
0x56: {  	s30 =	simm.s32 $0xB400  }
0x57: {  	[tilespmem:s30], [sflag:$0x2] =	stream.indirect_vreg.gather [hbm4b:s6+s2], $0x80, v3, vm0, $0xb8;
	[tilespmem:$0x10400] =	vst v63  }
0x58: {  	s31 =	simm.s32 $0xBC00  }
0x59: {  	[tilespmem:s31], [sflag:$0x2] =	stream.indirect_vreg.gather [hbm4b:s7+s2], $0x80, v3, vm0, $0xb8;
	[tilespmem:$0x10400] =	vst v63  }
0x5a: {  	v3 =	vld [tilespmem:$0x90];
	_ =	sdelay $0x4  }
0x5b: {  	v51 =	vshll.u32 v3, $0x3  }
0x5c: {  	v3 =	vand.u32 $0x7, v3;
	v4 =	vand.u32 $0xFFFFFFC0, v51  }
0x5d: {  	v3 =	vor.u32 v3, v4  }
0x5e: {  	v4 =	vperm.xlane v3, v0;
	_ =	sdelay $0x1  }
0x5f: {  	v4 =	vadd.s32 v1, v4;
	_ =	sdelay $0x3  }
0x60: {  	s0 =	simm.s32 $0xC400  }
0x61: {  	[tilespmem:s0], [sflag:$0x2] =	stream.indirect_vreg.gather [hbm4b:s4+s2], $0x80, v4, vm0, $0xb8;
	[tilespmem:$0x10400] =	vst v63  }
0x62: {  	s14 =	simm.s32 $0xCC00;
	v3 =	vperm.xlane v3, v2  }
0x63: {  	[tilespmem:s14], [sflag:$0x2] =	stream.indirect_vreg.gather [hbm4b:s5+s2], $0x80, v4, vm0, $0xb8;
	[tilespmem:$0x10400] =	vst v63  }
0x64: {  	s15 =	simm.s32 $0xD400;
	v3 =	vadd.s32 v1, v3  }
0x65: {  	[tilespmem:s15], [sflag:$0x2] =	stream.indirect_vreg.gather [hbm4b:s6+s2], $0x80, v4, vm0, $0xb8;
	[tilespmem:$0x10400] =	vst v63  }
0x66: {  	s23 =	simm.s32 $0xDC00  }
0x67: {  	[tilespmem:s23], [sflag:$0x2] =	stream.indirect_vreg.gather [hbm4b:s7+s2], $0x80, v4, vm0, $0xb8;
	[tilespmem:$0x10400] =	vst v63  }
0x68: {  	s0 =	simm.s32 $0xE400  }
0x69: {  	[tilespmem:s0], [sflag:$0x2] =	stream.indirect_vreg.gather [hbm4b:s4+s2], $0x80, v3, vm0, $0xb8;
	[tilespmem:$0x10400] =	vst v63  }
0x6a: {  	s14 =	simm.s32 $0xEC00  }
0x6b: {  	[tilespmem:s14], [sflag:$0x2] =	stream.indirect_vreg.gather [hbm4b:s5+s2], $0x80, v3, vm0, $0xb8;
	[tilespmem:$0x10400] =	vst v63  }
0x6c: {  	s15 =	simm.s32 $0xF400  }
0x6d: {  	[tilespmem:s15], [sflag:$0x2] =	stream.indirect_vreg.gather [hbm4b:s6+s2], $0x80, v3, vm0, $0xb8;
	[tilespmem:$0x10400] =	vst v63  }
0x6e: {  	s23 =	simm.s32 $0xFC00  }
0x6f: {  	[tilespmem:s23], [sflag:$0x2] =	stream.indirect_vreg.gather [hbm4b:s7+s2], $0x80, v3, vm0, $0xb8;
	[tilespmem:$0x10400] =	vst v63  }
0x70: {  	_ =	swait.ge [sflag:s19], $0x8000  }
0x71: {  	[sflag:s19] =	ssyncset.done $0x0  }
0x72: {  	s0 =	rddreg [dreg:$0x4];
	[sflag:s19] =	ssyncadd.s32 $0xFFFF8000  }
0x73: {  	[hbm4b:s0+s2] =	stream.linear.scatter [tilespmem:s28], [sflag:$0x4], $0x8000, $0x38;
	[tilespmem:$0x10400] =	vst v63  }
0x74: {  	_ =	swait.ge [sflag:s20], $0x8000  }
0x75: {  	[sflag:s20] =	ssyncset.done $0x0  }
0x76: {  	[sflag:s20] =	ssyncadd.s32 $0xFFFF8000  }
0x77: {  	v3 =	vld [tilespmem:$0x100];
	_ =	sdelay $0x4  }
0x78: {  	v52 =	vshll.u32 v3, $0x3  }
0x79: {  	v3 =	vand.u32 $0x7, v3;
	v4 =	vand.u32 $0xFFFFFFC0, v52  }
0x7a: {  	v3 =	vor.u32 v3, v4  }
0x7b: {  	v4 =	vperm.xlane v3, v0;
	_ =	sdelay $0x1  }
0x7c: {  	v4 =	vadd.s32 v1, v4;
	_ =	sdelay $0x4  }
0x7d: {  	[tilespmem:s29], [sflag:$0x1] =	stream.indirect_vreg.gather [hbm4b:s4+s2], $0x80, v4, vm0, $0xb8;
	[tilespmem:$0x10400] =	vst v63  }
0x7e: {  	s10 =	simm.s32 $0xC00;
	v3 =	vperm.xlane v3, v2  }
0x7f: {  	[tilespmem:s10], [sflag:$0x1] =	stream.indirect_vreg.gather [hbm4b:s5+s2], $0x80, v4, vm0, $0xb8;
	[tilespmem:$0x10400] =	vst v63  }
0x80: {  	s1 =	simm.s32 $0x1400;
	v3 =	vadd.s32 v1, v3  }
0x81: {  	[tilespmem:s1], [sflag:$0x1] =	stream.indirect_vreg.gather [hbm4b:s6+s2], $0x80, v4, vm0, $0xb8;
	[tilespmem:$0x10400] =	vst v63  }
0x82: {  	s10 =	simm.s32 $0x1C00  }
0x83: {  	[tilespmem:s10], [sflag:$0x1] =	stream.indirect_vreg.gather [hbm4b:s7+s2], $0x80, v4, vm0, $0xb8;
	[tilespmem:$0x10400] =	vst v63  }
0x84: {  	s3 =	simm.s32 $0x2400  }
0x85: {  	[tilespmem:s3], [sflag:$0x1] =	stream.indirect_vreg.gather [hbm4b:s4+s2], $0x80, v3, vm0, $0xb8;
	[tilespmem:$0x10400] =	vst v63  }
0x86: {  	s9 =	simm.s32 $0x2C00  }
0x87: {  	[tilespmem:s9], [sflag:$0x1] =	stream.indirect_vreg.gather [hbm4b:s5+s2], $0x80, v3, vm0, $0xb8;
	[tilespmem:$0x10400] =	vst v63  }
0x88: {  	s11 =	simm.s32 $0x3400  }
0x89: {  	[tilespmem:s11], [sflag:$0x1] =	stream.indirect_vreg.gather [hbm4b:s6+s2], $0x80, v3, vm0, $0xb8;
	[tilespmem:$0x10400] =	vst v63  }
0x8a: {  	s12 =	simm.s32 $0x3C00  }
0x8b: {  	[tilespmem:s12], [sflag:$0x1] =	stream.indirect_vreg.gather [hbm4b:s7+s2], $0x80, v3, vm0, $0xb8;
	[tilespmem:$0x10400] =	vst v63  }
0x8c: {  	v3 =	vld [tilespmem:$0x110];
	_ =	sdelay $0x4  }
0x8d: {  	v53 =	vshll.u32 v3, $0x3  }
0x8e: {  	v3 =	vand.u32 $0x7, v3;
	v4 =	vand.u32 $0xFFFFFFC0, v53  }
0x8f: {  	v3 =	vor.u32 v3, v4  }
0x90: {  	v4 =	vperm.xlane v3, v0;
	_ =	sdelay $0x1  }
0x91: {  	v4 =	vadd.s32 v1, v4;
	_ =	sdelay $0x3  }
0x92: {  	s13 =	simm.s32 $0x4400  }
0x93: {  	[tilespmem:s13], [sflag:$0x1] =	stream.indirect_vreg.gather [hbm4b:s4+s2], $0x80, v4, vm0, $0xb8;
	[tilespmem:$0x10400] =	vst v63  }
0x94: {  	s14 =	simm.s32 $0x4C00;
	v3 =	vperm.xlane v3, v2  }
0x95: {  	[tilespmem:s14], [sflag:$0x1] =	stream.indirect_vreg.gather [hbm4b:s5+s2], $0x80, v4, vm0, $0xb8;
	[tilespmem:$0x10400] =	vst v63  }
0x96: {  	s3 =	simm.s32 $0x5400;
	v3 =	vadd.s32 v1, v3  }
0x97: {  	[tilespmem:s3], [sflag:$0x1] =	stream.indirect_vreg.gather [hbm4b:s6+s2], $0x80, v4, vm0, $0xb8;
	[tilespmem:$0x10400] =	vst v63  }
0x98: {  	s9 =	simm.s32 $0x5C00  }
0x99: {  	[tilespmem:s9], [sflag:$0x1] =	stream.indirect_vreg.gather [hbm4b:s7+s2], $0x80, v4, vm0, $0xb8;
	[tilespmem:$0x10400] =	vst v63  }
0x9a: {  	s11 =	simm.s32 $0x6400  }
0x9b: {  	[tilespmem:s11], [sflag:$0x1] =	stream.indirect_vreg.gather [hbm4b:s4+s2], $0x80, v3, vm0, $0xb8;
	[tilespmem:$0x10400] =	vst v63  }
0x9c: {  	s12 =	simm.s32 $0x6C00  }
0x9d: {  	[tilespmem:s12], [sflag:$0x1] =	stream.indirect_vreg.gather [hbm4b:s5+s2], $0x80, v3, vm0, $0xb8;
	[tilespmem:$0x10400] =	vst v63  }
0x9e: {  	s13 =	simm.s32 $0x7400  }
0x9f: {  	[tilespmem:s13], [sflag:$0x1] =	stream.indirect_vreg.gather [hbm4b:s6+s2], $0x80, v3, vm0, $0xb8;
	[tilespmem:$0x10400] =	vst v63  }
0xa0: {  	s15 =	simm.s32 $0x7C00  }
0xa1: {  	[tilespmem:s15], [sflag:$0x1] =	stream.indirect_vreg.gather [hbm4b:s7+s2], $0x80, v3, vm0, $0xb8;
	[tilespmem:$0x10400] =	vst v63  }
0xa2: {  	_ =	swait.ge [sflag:s26], $0x8000  }
0xa3: {  	[sflag:s26] =	ssyncset.done $0x0  }
0xa4: {  	s1 =	rddreg [dreg:$0x5];
	[sflag:s26] =	ssyncadd.s32 $0xFFFF8000  }
0xa5: {  	[hbm4b:s1+s2] =	stream.linear.scatter [tilespmem:s29], [sflag:$0x3], $0x8000, $0x38;
	[tilespmem:$0x10400] =	vst v63  }
0xa6: {  	_ =	swait.ge [sflag:s21], $0x8000  }
0xa7: {  	[sflag:s21] =	ssyncset.done $0x0  }
0xa8: {  	[sflag:s21] =	ssyncadd.s32 $0xFFFF8000  }
0xa9: {  	v3 =	vld [tilespmem:$0x180];
	_ =	sdelay $0x4  }
0xaa: {  	v54 =	vshll.u32 v3, $0x3  }
0xab: {  	v3 =	vand.u32 $0x7, v3;
	v4 =	vand.u32 $0xFFFFFFC0, v54  }
0xac: {  	v3 =	vor.u32 v3, v4  }
0xad: {  	v4 =	vperm.xlane v3, v0;
	_ =	sdelay $0x1  }
0xae: {  	v4 =	vadd.s32 v1, v4;
	_ =	sdelay $0x4  }
0xaf: {  	[tilespmem:s28], [sflag:$0x2] =	stream.indirect_vreg.gather [hbm4b:s4+s2], $0x80, v4, vm0, $0xb8;
	[tilespmem:$0x10400] =	vst v63  }
0xb0: {  	s1 =	simm.s32 $0x8C00;
	v3 =	vperm.xlane v3, v2  }
0xb1: {  	[tilespmem:s1], [sflag:$0x2] =	stream.indirect_vreg.gather [hbm4b:s5+s2], $0x80, v4, vm0, $0xb8;
	[tilespmem:$0x10400] =	vst v63  }
0xb2: {  	s0 =	simm.s32 $0x9400;
	v3 =	vadd.s32 v1, v3  }
0xb3: {  	[tilespmem:s0], [sflag:$0x2] =	stream.indirect_vreg.gather [hbm4b:s6+s2], $0x80, v4, vm0, $0xb8;
	[tilespmem:$0x10400] =	vst v63  }
0xb4: {  	s22 =	simm.s32 $0x9C00  }
0xb5: {  	[tilespmem:s22], [sflag:$0x2] =	stream.indirect_vreg.gather [hbm4b:s7+s2], $0x80, v4, vm0, $0xb8;
	[tilespmem:$0x10400] =	vst v63  }
0xb6: {  	s24 =	simm.s32 $0xA400  }
0xb7: {  	[tilespmem:s24], [sflag:$0x2] =	stream.indirect_vreg.gather [hbm4b:s4+s2], $0x80, v3, vm0, $0xb8;
	[tilespmem:$0x10400] =	vst v63  }
0xb8: {  	s25 =	simm.s32 $0xAC00  }
0xb9: {  	[tilespmem:s25], [sflag:$0x2] =	stream.indirect_vreg.gather [hbm4b:s5+s2], $0x80, v3, vm0, $0xb8;
	[tilespmem:$0x10400] =	vst v63  }
0xba: {  	s30 =	simm.s32 $0xB400  }
0xbb: {  	[tilespmem:s30], [sflag:$0x2] =	stream.indirect_vreg.gather [hbm4b:s6+s2], $0x80, v3, vm0, $0xb8;
	[tilespmem:$0x10400] =	vst v63  }
0xbc: {  	s16 =	simm.s32 $0xBC00  }
0xbd: {  	[tilespmem:s16], [sflag:$0x2] =	stream.indirect_vreg.gather [hbm4b:s7+s2], $0x80, v3, vm0, $0xb8;
	[tilespmem:$0x10400] =	vst v63  }
0xbe: {  	v3 =	vld [tilespmem:$0x190];
	_ =	sdelay $0x4  }
0xbf: {  	v55 =	vshll.u32 v3, $0x3  }
0xc0: {  	v3 =	vand.u32 $0x7, v3;
	v4 =	vand.u32 $0xFFFFFFC0, v55  }
0xc1: {  	v3 =	vor.u32 v3, v4  }
0xc2: {  	v4 =	vperm.xlane v3, v0;
	_ =	sdelay $0x1  }
0xc3: {  	v4 =	vadd.s32 v1, v4;
	_ =	sdelay $0x3  }
0xc4: {  	s17 =	simm.s32 $0xC400  }
0xc5: {  	[tilespmem:s17], [sflag:$0x2] =	stream.indirect_vreg.gather [hbm4b:s4+s2], $0x80, v4, vm0, $0xb8;
	[tilespmem:$0x10400] =	vst v63  }
0xc6: {  	s18 =	simm.s32 $0xCC00;
	v3 =	vperm.xlane v3, v2  }
0xc7: {  	[tilespmem:s18], [sflag:$0x2] =	stream.indirect_vreg.gather [hbm4b:s5+s2], $0x80, v4, vm0, $0xb8;
	[tilespmem:$0x10400] =	vst v63  }
0xc8: {  	s31 =	simm.s32 $0xD400;
	v3 =	vadd.s32 v1, v3  }
0xc9: {  	[tilespmem:s31], [sflag:$0x2] =	stream.indirect_vreg.gather [hbm4b:s6+s2], $0x80, v4, vm0, $0xb8;
	[tilespmem:$0x10400] =	vst v63  }
0xca: {  	s22 =	simm.s32 $0xDC00  }
0xcb: {  	[tilespmem:s22], [sflag:$0x2] =	stream.indirect_vreg.gather [hbm4b:s7+s2], $0x80, v4, vm0, $0xb8;
	[tilespmem:$0x10400] =	vst v63  }
0xcc: {  	s31 =	simm.s32 $0xE400  }
0xcd: {  	[tilespmem:s31], [sflag:$0x2] =	stream.indirect_vreg.gather [hbm4b:s4+s2], $0x80, v3, vm0, $0xb8;
	[tilespmem:$0x10400] =	vst v63  }
0xce: {  	s22 =	simm.s32 $0xEC00  }
0xcf: {  	[tilespmem:s22], [sflag:$0x2] =	stream.indirect_vreg.gather [hbm4b:s5+s2], $0x80, v3, vm0, $0xb8;
	[tilespmem:$0x10400] =	vst v63  }
0xd0: {  	s22 =	simm.s32 $0xF400  }
0xd1: {  	[tilespmem:s22], [sflag:$0x2] =	stream.indirect_vreg.gather [hbm4b:s6+s2], $0x80, v3, vm0, $0xb8;
	[tilespmem:$0x10400] =	vst v63  }
0xd2: {  	s23 =	simm.s32 $0xFC00  }
0xd3: {  	[tilespmem:s23], [sflag:$0x2] =	stream.indirect_vreg.gather [hbm4b:s7+s2], $0x80, v3, vm0, $0xb8;
	[tilespmem:$0x10400] =	vst v63  }
0xd4: {  	_ =	swait.ge [sflag:s19], $0x8000  }
0xd5: {  	[sflag:s19] =	ssyncset.done $0x0  }
0xd6: {  	s23 =	rddreg [dreg:$0x6];
	[sflag:s19] =	ssyncadd.s32 $0xFFFF8000  }
0xd7: {  	[hbm4b:s23+s2] =	stream.linear.scatter [tilespmem:s28], [sflag:$0x4], $0x8000, $0x38;
	[tilespmem:$0x10400] =	vst v63  }
0xd8: {  	_ =	swait.ge [sflag:s20], $0x8000  }
0xd9: {  	[sflag:s20] =	ssyncset.done $0x0  }
0xda: {  	[sflag:s20] =	ssyncadd.s32 $0xFFFF8000  }
0xdb: {  	v3 =	vld [tilespmem:$0x200];
	_ =	sdelay $0x4  }
0xdc: {  	v56 =	vshll.u32 v3, $0x3  }
0xdd: {  	v3 =	vand.u32 $0x7, v3;
	v4 =	vand.u32 $0xFFFFFFC0, v56  }
0xde: {  	v3 =	vor.u32 v3, v4  }
0xdf: {  	v4 =	vperm.xlane v3, v0;
	_ =	sdelay $0x1  }
0xe0: {  	v4 =	vadd.s32 v1, v4;
	_ =	sdelay $0x4  }
0xe1: {  	[tilespmem:s29], [sflag:$0x1] =	stream.indirect_vreg.gather [hbm4b:s4+s2], $0x80, v4, vm0, $0xb8;
	[tilespmem:$0x10400] =	vst v63  }
0xe2: {  	s23 =	simm.s32 $0xC00;
	v3 =	vperm.xlane v3, v2  }
0xe3: {  	[tilespmem:s23], [sflag:$0x1] =	stream.indirect_vreg.gather [hbm4b:s5+s2], $0x80, v4, vm0, $0xb8;
	[tilespmem:$0x10400] =	vst v63  }
0xe4: {  	v3 =	vadd.s32 v1, v3;
	s23 =	simm.s32 $0x1400  }
0xe5: {  	[tilespmem:s23], [sflag:$0x1] =	stream.indirect_vreg.gather [hbm4b:s6+s2], $0x80, v4, vm0, $0xb8;
	[tilespmem:$0x10400] =	vst v63  }
0xe6: {  	_ = 	snop  }
0xe7: {  	[tilespmem:s10], [sflag:$0x1] =	stream.indirect_vreg.gather [hbm4b:s7+s2], $0x80, v4, vm0, $0xb8;
	[tilespmem:$0x10400] =	vst v63  }
0xe8: {  	s23 =	simm.s32 $0x2400  }
0xe9: {  	[tilespmem:s23], [sflag:$0x1] =	stream.indirect_vreg.gather [hbm4b:s4+s2], $0x80, v3, vm0, $0xb8;
	[tilespmem:$0x10400] =	vst v63  }
0xea: {  	s23 =	simm.s32 $0x2C00  }
0xeb: {  	[tilespmem:s23], [sflag:$0x1] =	stream.indirect_vreg.gather [hbm4b:s5+s2], $0x80, v3, vm0, $0xb8;
	[tilespmem:$0x10400] =	vst v63  }
0xec: {  	s23 =	simm.s32 $0x3400  }
0xed: {  	[tilespmem:s23], [sflag:$0x1] =	stream.indirect_vreg.gather [hbm4b:s6+s2], $0x80, v3, vm0, $0xb8;
	[tilespmem:$0x10400] =	vst v63  }
0xee: {  	s23 =	simm.s32 $0x3C00  }
0xef: {  	[tilespmem:s23], [sflag:$0x1] =	stream.indirect_vreg.gather [hbm4b:s7+s2], $0x80, v3, vm0, $0xb8;
	[tilespmem:$0x10400] =	vst v63  }
0xf0: {  	v3 =	vld [tilespmem:$0x210];
	_ =	sdelay $0x4  }
0xf1: {  	v57 =	vshll.u32 v3, $0x3  }
0xf2: {  	v3 =	vand.u32 $0x7, v3;
	v4 =	vand.u32 $0xFFFFFFC0, v57  }
0xf3: {  	v3 =	vor.u32 v3, v4  }
0xf4: {  	v4 =	vperm.xlane v3, v0;
	_ =	sdelay $0x1  }
0xf5: {  	v4 =	vadd.s32 v1, v4;
	_ =	sdelay $0x3  }
0xf6: {  	s23 =	simm.s32 $0x4400  }
0xf7: {  	[tilespmem:s23], [sflag:$0x1] =	stream.indirect_vreg.gather [hbm4b:s4+s2], $0x80, v4, vm0, $0xb8;
	[tilespmem:$0x10400] =	vst v63  }
0xf8: {  	v3 =	vperm.xlane v3, v2  }
0xf9: {  	[tilespmem:s14], [sflag:$0x1] =	stream.indirect_vreg.gather [hbm4b:s5+s2], $0x80, v4, vm0, $0xb8;
	[tilespmem:$0x10400] =	vst v63  }
0xfa: {  	v3 =	vadd.s32 v1, v3  }
0xfb: {  	[tilespmem:s3], [sflag:$0x1] =	stream.indirect_vreg.gather [hbm4b:s6+s2], $0x80, v4, vm0, $0xb8;
	[tilespmem:$0x10400] =	vst v63  }
0xfc: {  	_ = 	snop  }
0xfd: {  	[tilespmem:s9], [sflag:$0x1] =	stream.indirect_vreg.gather [hbm4b:s7+s2], $0x80, v4, vm0, $0xb8;
	[tilespmem:$0x10400] =	vst v63  }
0xfe: {  	_ = 	snop  }
0xff: {  	[tilespmem:s11], [sflag:$0x1] =	stream.indirect_vreg.gather [hbm4b:s4+s2], $0x80, v3, vm0, $0xb8;
	[tilespmem:$0x10400] =	vst v63  }
0x100: {  	_ = 	snop  }
0x101: {  	[tilespmem:s12], [sflag:$0x1] =	stream.indirect_vreg.gather [hbm4b:s5+s2], $0x80, v3, vm0, $0xb8;
	[tilespmem:$0x10400] =	vst v63  }
0x102: {  	_ = 	snop  }
0x103: {  	[tilespmem:s13], [sflag:$0x1] =	stream.indirect_vreg.gather [hbm4b:s6+s2], $0x80, v3, vm0, $0xb8;
	[tilespmem:$0x10400] =	vst v63  }
0x104: {  	_ = 	snop  }
0x105: {  	[tilespmem:s15], [sflag:$0x1] =	stream.indirect_vreg.gather [hbm4b:s7+s2], $0x80, v3, vm0, $0xb8;
	[tilespmem:$0x10400] =	vst v63  }
0x106: {  	_ =	swait.ge [sflag:s26], $0x8000  }
0x107: {  	[sflag:s26] =	ssyncset.done $0x0  }
0x108: {  	s23 =	rddreg [dreg:$0x7];
	[sflag:s26] =	ssyncadd.s32 $0xFFFF8000  }
0x109: {  	[hbm4b:s23+s2] =	stream.linear.scatter [tilespmem:s29], [sflag:$0x3], $0x8000, $0x38;
	[tilespmem:$0x10400] =	vst v63  }
0x10a: {  	_ =	swait.ge [sflag:s21], $0x8000  }
0x10b: {  	[sflag:s21] =	ssyncset.done $0x0  }
0x10c: {  	[sflag:s21] =	ssyncadd.s32 $0xFFFF8000  }
0x10d: {  	v3 =	vld [tilespmem:$0x280];
	_ =	sdelay $0x4  }
0x10e: {  	v58 =	vshll.u32 v3, $0x3  }
0x10f: {  	v3 =	vand.u32 $0x7, v3;
	v4 =	vand.u32 $0xFFFFFFC0, v58  }
0x110: {  	v3 =	vor.u32 v3, v4  }
0x111: {  	v4 =	vperm.xlane v3, v0;
	_ =	sdelay $0x1  }
0x112: {  	v4 =	vadd.s32 v1, v4;
	_ =	sdelay $0x4  }
0x113: {  	[tilespmem:s28], [sflag:$0x2] =	stream.indirect_vreg.gather [hbm4b:s4+s2], $0x80, v4, vm0, $0xb8;
	[tilespmem:$0x10400] =	vst v63  }
0x114: {  	v3 =	vperm.xlane v3, v2  }
0x115: {  	[tilespmem:s1], [sflag:$0x2] =	stream.indirect_vreg.gather [hbm4b:s5+s2], $0x80, v4, vm0, $0xb8;
	[tilespmem:$0x10400] =	vst v63  }
0x116: {  	v3 =	vadd.s32 v1, v3  }
0x117: {  	[tilespmem:s0], [sflag:$0x2] =	stream.indirect_vreg.gather [hbm4b:s6+s2], $0x80, v4, vm0, $0xb8;
	[tilespmem:$0x10400] =	vst v63  }
0x118: {  	s23 =	simm.s32 $0x9C00  }
0x119: {  	[tilespmem:s23], [sflag:$0x2] =	stream.indirect_vreg.gather [hbm4b:s7+s2], $0x80, v4, vm0, $0xb8;
	[tilespmem:$0x10400] =	vst v63  }
0x11a: {  	s24 =	simm.s32 $0xA400  }
0x11b: {  	[tilespmem:s24], [sflag:$0x2] =	stream.indirect_vreg.gather [hbm4b:s4+s2], $0x80, v3, vm0, $0xb8;
	[tilespmem:$0x10400] =	vst v63  }
0x11c: {  	s25 =	simm.s32 $0xAC00  }
0x11d: {  	[tilespmem:s25], [sflag:$0x2] =	stream.indirect_vreg.gather [hbm4b:s5+s2], $0x80, v3, vm0, $0xb8;
	[tilespmem:$0x10400] =	vst v63  }
0x11e: {  	s30 =	simm.s32 $0xB400  }
0x11f: {  	[tilespmem:s30], [sflag:$0x2] =	stream.indirect_vreg.gather [hbm4b:s6+s2], $0x80, v3, vm0, $0xb8;
	[tilespmem:$0x10400] =	vst v63  }
0x120: {  	s30 =	simm.s32 $0xBC00  }
0x121: {  	[tilespmem:s30], [sflag:$0x2] =	stream.indirect_vreg.gather [hbm4b:s7+s2], $0x80, v3, vm0, $0xb8;
	[tilespmem:$0x10400] =	vst v63  }
0x122: {  	v3 =	vld [tilespmem:$0x290];
	_ =	sdelay $0x4  }
0x123: {  	v59 =	vshll.u32 v3, $0x3  }
0x124: {  	v3 =	vand.u32 $0x7, v3;
	v4 =	vand.u32 $0xFFFFFFC0, v59  }
0x125: {  	v3 =	vor.u32 v3, v4  }
0x126: {  	v4 =	vperm.xlane v3, v0;
	_ =	sdelay $0x1  }
0x127: {  	v4 =	vadd.s32 v1, v4;
	_ =	sdelay $0x3  }
0x128: {  	s30 =	simm.s32 $0xC400  }
0x129: {  	[tilespmem:s30], [sflag:$0x2] =	stream.indirect_vreg.gather [hbm4b:s4+s2], $0x80, v4, vm0, $0xb8;
	[tilespmem:$0x10400] =	vst v63  }
0x12a: {  	v3 =	vperm.xlane v3, v2;
	s30 =	simm.s32 $0xCC00  }
0x12b: {  	[tilespmem:s30], [sflag:$0x2] =	stream.indirect_vreg.gather [hbm4b:s5+s2], $0x80, v4, vm0, $0xb8;
	[tilespmem:$0x10400] =	vst v63  }
0x12c: {  	s16 =	simm.s32 $0xD400;
	v3 =	vadd.s32 v1, v3  }
0x12d: {  	[tilespmem:s16], [sflag:$0x2] =	stream.indirect_vreg.gather [hbm4b:s6+s2], $0x80, v4, vm0, $0xb8;
	[tilespmem:$0x10400] =	vst v63  }
0x12e: {  	s17 =	simm.s32 $0xDC00  }
0x12f: {  	[tilespmem:s17], [sflag:$0x2] =	stream.indirect_vreg.gather [hbm4b:s7+s2], $0x80, v4, vm0, $0xb8;
	[tilespmem:$0x10400] =	vst v63  }
0x130: {  	s31 =	simm.s32 $0xE400  }
0x131: {  	[tilespmem:s31], [sflag:$0x2] =	stream.indirect_vreg.gather [hbm4b:s4+s2], $0x80, v3, vm0, $0xb8;
	[tilespmem:$0x10400] =	vst v63  }
0x132: {  	s18 =	simm.s32 $0xEC00  }
0x133: {  	[tilespmem:s18], [sflag:$0x2] =	stream.indirect_vreg.gather [hbm4b:s5+s2], $0x80, v3, vm0, $0xb8;
	[tilespmem:$0x10400] =	vst v63  }
0x134: {  	s22 =	simm.s32 $0xF400  }
0x135: {  	[tilespmem:s22], [sflag:$0x2] =	stream.indirect_vreg.gather [hbm4b:s6+s2], $0x80, v3, vm0, $0xb8;
	[tilespmem:$0x10400] =	vst v63  }
0x136: {  	s22 =	simm.s32 $0xFC00  }
0x137: {  	[tilespmem:s22], [sflag:$0x2] =	stream.indirect_vreg.gather [hbm4b:s7+s2], $0x80, v3, vm0, $0xb8;
	[tilespmem:$0x10400] =	vst v63  }
0x138: {  	_ =	swait.ge [sflag:s19], $0x8000  }
0x139: {  	[sflag:s19] =	ssyncset.done $0x0  }
0x13a: {  	s22 =	rddreg [dreg:$0x8];
	[sflag:s19] =	ssyncadd.s32 $0xFFFF8000  }
0x13b: {  	[hbm4b:s22+s2] =	stream.linear.scatter [tilespmem:s28], [sflag:$0x4], $0x8000, $0x38;
	[tilespmem:$0x10400] =	vst v63  }
0x13c: {  	_ =	swait.ge [sflag:s20], $0x8000  }
0x13d: {  	[sflag:s20] =	ssyncset.done $0x0  }
0x13e: {  	[sflag:s20] =	ssyncadd.s32 $0xFFFF8000  }
0x13f: {  	v3 =	vld [tilespmem:$0x300];
	_ =	sdelay $0x4  }
0x140: {  	v60 =	vshll.u32 v3, $0x3  }
0x141: {  	v3 =	vand.u32 $0x7, v3;
	v4 =	vand.u32 $0xFFFFFFC0, v60  }
0x142: {  	v3 =	vor.u32 v3, v4  }
0x143: {  	v4 =	vperm.xlane v3, v0;
	_ =	sdelay $0x1  }
0x144: {  	v4 =	vadd.s32 v1, v4;
	_ =	sdelay $0x4  }
0x145: {  	[tilespmem:s29], [sflag:$0x1] =	stream.indirect_vreg.gather [hbm4b:s4+s2], $0x80, v4, vm0, $0xb8;
	[tilespmem:$0x10400] =	vst v63  }
0x146: {  	s22 =	simm.s32 $0xC00;
	v3 =	vperm.xlane v3, v2  }
0x147: {  	[tilespmem:s22], [sflag:$0x1] =	stream.indirect_vreg.gather [hbm4b:s5+s2], $0x80, v4, vm0, $0xb8;
	[tilespmem:$0x10400] =	vst v63  }
0x148: {  	v3 =	vadd.s32 v1, v3;
	s22 =	simm.s32 $0x1400  }
0x149: {  	[tilespmem:s22], [sflag:$0x1] =	stream.indirect_vreg.gather [hbm4b:s6+s2], $0x80, v4, vm0, $0xb8;
	[tilespmem:$0x10400] =	vst v63  }
0x14a: {  	s10 =	simm.s32 $0x1C00  }
0x14b: {  	[tilespmem:s10], [sflag:$0x1] =	stream.indirect_vreg.gather [hbm4b:s7+s2], $0x80, v4, vm0, $0xb8;
	[tilespmem:$0x10400] =	vst v63  }
0x14c: {  	s22 =	simm.s32 $0x2400  }
0x14d: {  	[tilespmem:s22], [sflag:$0x1] =	stream.indirect_vreg.gather [hbm4b:s4+s2], $0x80, v3, vm0, $0xb8;
	[tilespmem:$0x10400] =	vst v63  }
0x14e: {  	s22 =	simm.s32 $0x2C00  }
0x14f: {  	[tilespmem:s22], [sflag:$0x1] =	stream.indirect_vreg.gather [hbm4b:s5+s2], $0x80, v3, vm0, $0xb8;
	[tilespmem:$0x10400] =	vst v63  }
0x150: {  	s22 =	simm.s32 $0x3400  }
0x151: {  	[tilespmem:s22], [sflag:$0x1] =	stream.indirect_vreg.gather [hbm4b:s6+s2], $0x80, v3, vm0, $0xb8;
	[tilespmem:$0x10400] =	vst v63  }
0x152: {  	s22 =	simm.s32 $0x3C00  }
0x153: {  	[tilespmem:s22], [sflag:$0x1] =	stream.indirect_vreg.gather [hbm4b:s7+s2], $0x80, v3, vm0, $0xb8;
	[tilespmem:$0x10400] =	vst v63  }
0x154: {  	v3 =	vld [tilespmem:$0x310];
	_ =	sdelay $0x4  }
0x155: {  	v61 =	vshll.u32 v3, $0x3  }
0x156: {  	v3 =	vand.u32 $0x7, v3;
	v4 =	vand.u32 $0xFFFFFFC0, v61  }
0x157: {  	v3 =	vor.u32 v3, v4  }
0x158: {  	v4 =	vperm.xlane v3, v0;
	_ =	sdelay $0x1  }
0x159: {  	v4 =	vadd.s32 v1, v4;
	_ =	sdelay $0x3  }
0x15a: {  	s22 =	simm.s32 $0x4400  }
0x15b: {  	[tilespmem:s22], [sflag:$0x1] =	stream.indirect_vreg.gather [hbm4b:s4+s2], $0x80, v4, vm0, $0xb8;
	[tilespmem:$0x10400] =	vst v63  }
0x15c: {  	s14 =	simm.s32 $0x4C00;
	v3 =	vperm.xlane v3, v2  }
0x15d: {  	[tilespmem:s14], [sflag:$0x1] =	stream.indirect_vreg.gather [hbm4b:s5+s2], $0x80, v4, vm0, $0xb8;
	[tilespmem:$0x10400] =	vst v63  }
0x15e: {  	s3 =	simm.s32 $0x5400;
	v3 =	vadd.s32 v1, v3  }
0x15f: {  	[tilespmem:s3], [sflag:$0x1] =	stream.indirect_vreg.gather [hbm4b:s6+s2], $0x80, v4, vm0, $0xb8;
	[tilespmem:$0x10400] =	vst v63  }
0x160: {  	s9 =	simm.s32 $0x5C00  }
0x161: {  	[tilespmem:s9], [sflag:$0x1] =	stream.indirect_vreg.gather [hbm4b:s7+s2], $0x80, v4, vm0, $0xb8;
	[tilespmem:$0x10400] =	vst v63  }
0x162: {  	s11 =	simm.s32 $0x6400  }
0x163: {  	[tilespmem:s11], [sflag:$0x1] =	stream.indirect_vreg.gather [hbm4b:s4+s2], $0x80, v3, vm0, $0xb8;
	[tilespmem:$0x10400] =	vst v63  }
0x164: {  	s12 =	simm.s32 $0x6C00  }
0x165: {  	[tilespmem:s12], [sflag:$0x1] =	stream.indirect_vreg.gather [hbm4b:s5+s2], $0x80, v3, vm0, $0xb8;
	[tilespmem:$0x10400] =	vst v63  }
0x166: {  	s13 =	simm.s32 $0x7400  }
0x167: {  	[tilespmem:s13], [sflag:$0x1] =	stream.indirect_vreg.gather [hbm4b:s6+s2], $0x80, v3, vm0, $0xb8;
	[tilespmem:$0x10400] =	vst v63  }
0x168: {  	s15 =	simm.s32 $0x7C00  }
0x169: {  	[tilespmem:s15], [sflag:$0x1] =	stream.indirect_vreg.gather [hbm4b:s7+s2], $0x80, v3, vm0, $0xb8;
	[tilespmem:$0x10400] =	vst v63  }
0x16a: {  	_ =	swait.ge [sflag:s26], $0x8000  }
0x16b: {  	[sflag:s26] =	ssyncset.done $0x0  }
0x16c: {  	s15 =	rddreg [dreg:$0x9];
	[sflag:s26] =	ssyncadd.s32 $0xFFFF8000  }
0x16d: {  	[hbm4b:s15+s2] =	stream.linear.scatter [tilespmem:s29], [sflag:$0x3], $0x8000, $0x38;
	[tilespmem:$0x10400] =	vst v63  }
0x16e: {  	_ =	swait.ge [sflag:s21], $0x8000  }
0x16f: {  	[sflag:s21] =	ssyncset.done $0x0  }
0x170: {  	[sflag:s21] =	ssyncadd.s32 $0xFFFF8000  }
0x171: {  	v3 =	vld [tilespmem:$0x380];
	_ =	sdelay $0x4  }
0x172: {  	v62 =	vshll.u32 v3, $0x3  }
0x173: {  	v3 =	vand.u32 $0x7, v3;
	v4 =	vand.u32 $0xFFFFFFC0, v62  }
0x174: {  	v3 =	vor.u32 v3, v4  }
0x175: {  	v4 =	vperm.xlane v3, v0;
	_ =	sdelay $0x1  }
0x176: {  	v4 =	vadd.s32 v1, v4;
	_ =	sdelay $0x4  }
0x177: {  	[tilespmem:s28], [sflag:$0x2] =	stream.indirect_vreg.gather [hbm4b:s4+s2], $0x80, v4, vm0, $0xb8;
	[tilespmem:$0x10400] =	vst v63  }
0x178: {  	s1 =	simm.s32 $0x8C00;
	v3 =	vperm.xlane v3, v2  }
0x179: {  	[tilespmem:s1], [sflag:$0x2] =	stream.indirect_vreg.gather [hbm4b:s5+s2], $0x80, v4, vm0, $0xb8;
	[tilespmem:$0x10400] =	vst v63  }
0x17a: {  	s0 =	simm.s32 $0x9400;
	v3 =	vadd.s32 v1, v3  }
0x17b: {  	[tilespmem:s0], [sflag:$0x2] =	stream.indirect_vreg.gather [hbm4b:s6+s2], $0x80, v4, vm0, $0xb8;
	[tilespmem:$0x10400] =	vst v63  }
0x17c: {  	s22 =	simm.s32 $0x9C00  }
0x17d: {  	[tilespmem:s22], [sflag:$0x2] =	stream.indirect_vreg.gather [hbm4b:s7+s2], $0x80, v4, vm0, $0xb8;
	[tilespmem:$0x10400] =	vst v63  }
0x17e: {  	s23 =	simm.s32 $0xA400  }
0x17f: {  	[tilespmem:s23], [sflag:$0x2] =	stream.indirect_vreg.gather [hbm4b:s4+s2], $0x80, v3, vm0, $0xb8;
	[tilespmem:$0x10400] =	vst v63  }
0x180: {  	s24 =	simm.s32 $0xAC00  }
0x181: {  	[tilespmem:s24], [sflag:$0x2] =	stream.indirect_vreg.gather [hbm4b:s5+s2], $0x80, v3, vm0, $0xb8;
	[tilespmem:$0x10400] =	vst v63  }
0x182: {  	s25 =	simm.s32 $0xB400  }
0x183: {  	[tilespmem:s25], [sflag:$0x2] =	stream.indirect_vreg.gather [hbm4b:s6+s2], $0x80, v3, vm0, $0xb8;
	[tilespmem:$0x10400] =	vst v63  }
0x184: {  	s23 =	simm.s32 $0xBC00  }
0x185: {  	[tilespmem:s23], [sflag:$0x2] =	stream.indirect_vreg.gather [hbm4b:s7+s2], $0x80, v3, vm0, $0xb8;
	[tilespmem:$0x10400] =	vst v63  }
0x186: {  	v3 =	vld [tilespmem:$0x390];
	_ =	sdelay $0x4  }
0x187: {  	v63 =	vshll.u32 v3, $0x3  }
0x188: {  	v3 =	vand.u32 $0x7, v3;
	v4 =	vand.u32 $0xFFFFFFC0, v63  }
0x189: {  	v3 =	vor.u32 v3, v4  }
0x18a: {  	v4 =	vperm.xlane v3, v0;
	_ =	sdelay $0x1  }
0x18b: {  	v4 =	vadd.s32 v1, v4;
	_ =	sdelay $0x3  }
0x18c: {  	s24 =	simm.s32 $0xC400  }
0x18d: {  	[tilespmem:s24], [sflag:$0x2] =	stream.indirect_vreg.gather [hbm4b:s4+s2], $0x80, v4, vm0, $0xb8;
	[tilespmem:$0x10400] =	vst v63  }
0x18e: {  	s25 =	simm.s32 $0xCC00;
	v3 =	vperm.xlane v3, v2  }
0x18f: {  	[tilespmem:s25], [sflag:$0x2] =	stream.indirect_vreg.gather [hbm4b:s5+s2], $0x80, v4, vm0, $0xb8;
	[tilespmem:$0x10400] =	vst v63  }
0x190: {  	s30 =	simm.s32 $0xD400;
	v3 =	vadd.s32 v1, v3  }
0x191: {  	[tilespmem:s30], [sflag:$0x2] =	stream.indirect_vreg.gather [hbm4b:s6+s2], $0x80, v4, vm0, $0xb8;
	[tilespmem:$0x10400] =	vst v63  }
0x192: {  	s16 =	simm.s32 $0xDC00  }
0x193: {  	[tilespmem:s16], [sflag:$0x2] =	stream.indirect_vreg.gather [hbm4b:s7+s2], $0x80, v4, vm0, $0xb8;
	[tilespmem:$0x10400] =	vst v63  }
0x194: {  	s31 =	simm.s32 $0xE400  }
0x195: {  	[tilespmem:s31], [sflag:$0x2] =	stream.indirect_vreg.gather [hbm4b:s4+s2], $0x80, v3, vm0, $0xb8;
	[tilespmem:$0x10400] =	vst v63  }
0x196: {  	s17 =	simm.s32 $0xEC00  }
0x197: {  	[tilespmem:s17], [sflag:$0x2] =	stream.indirect_vreg.gather [hbm4b:s5+s2], $0x80, v3, vm0, $0xb8;
	[tilespmem:$0x10400] =	vst v63  }
0x198: {  	s18 =	simm.s32 $0xF400  }
0x199: {  	[tilespmem:s18], [sflag:$0x2] =	stream.indirect_vreg.gather [hbm4b:s6+s2], $0x80, v3, vm0, $0xb8;
	[tilespmem:$0x10400] =	vst v63  }
0x19a: {  	s30 =	simm.s32 $0xFC00  }
0x19b: {  	[tilespmem:s30], [sflag:$0x2] =	stream.indirect_vreg.gather [hbm4b:s7+s2], $0x80, v3, vm0, $0xb8;
	[tilespmem:$0x10400] =	vst v63  }
0x19c: {  	_ =	swait.ge [sflag:s19], $0x8000  }
0x19d: {  	[sflag:s19] =	ssyncset.done $0x0  }
0x19e: {  	s31 =	rddreg [dreg:$0xa];
	[sflag:s19] =	ssyncadd.s32 $0xFFFF8000  }
0x19f: {  	[hbm4b:s31+s2] =	stream.linear.scatter [tilespmem:s28], [sflag:$0x4], $0x8000, $0x38;
	[tilespmem:$0x10400] =	vst v63  }
0x1a0: {  	p0 =	sne.s32 s8, $0x1;
	_ =	swait.ge [sflag:s20], $0x8000  }
.Ltmp0:
0x1a1: {  	[sflag:s20] =	ssyncset.done $0x0;
	(pc) =	sbr.rel @p0 .LBB2_1-.Ltmp0, $4  }
0x1a2: {  	[sflag:s20] =	ssyncadd.s32 $0xFFFF8000  }
0x1a3: {  	_ =	swait.ge [sflag:s21], $0x8000  }
0x1a4: {  	[sflag:s21] =	ssyncset.done $0x0  }
0x1a5: {  	s8 =	sadd.s32 $0xFFFFFFFF, s8;
	[sflag:s21] =	ssyncadd.s32 $0xFFFF8000  }
0x1a6: {  	_ =	sfence.sel $0x180000  }
0x1a7: {  	[bflag:$0x0] =	sbarrier.arrive $0xFFFF  }
0x1a8: {  	_ =	strace $0x9000004A  }
0x1a9: {  	s0 =	stileid.u32;
	[bflag:$0x2] =	sbarrier.arrive $0xFFFF  }
0x1aa: {  	p0 =	sne.s32 s0, $0x0;
	s0 =	rddreg [dreg:$0x2]  }
0x1ab: {  	s0 =	sadd.s32 @!p0 $0x100000, s0  }
0x1ac: {  	[sflag:s0] =	ssyncadd.tile.s32 @!p0 $0x1;
	_ =	shalt  }
.Lfunc_end2:
_tile_overlayer_lowered:
.L_overlay_start_2:
0x1ad: {  	(tag) =	ssettag $0x2  }
0x1ae: {  	s0 =	rddreg [dreg:$0x0];
	s2 =	stileid.u32  }
0x1af: {  	s1 =	rddreg [dreg:$0x1];
	p0 =	sne.s32 s2, $0x0  }
0x1b0: {  	s3 =	rddreg [dreg:$0x2];
	[bflag:$0x3] =	sbarrier.arrive $0xFFFF;
	s2 =	simm.s32 @!p0 $0x1C05  }
0x1b1: {  	[timem:s3], [sflag:s2] =	dma.local @!p0 [hbm:s0], s1  }
0x1b2: {  	s0 =	simm.s32 @!p0 $0x5  }
0x1b3: {  	_ =	swait.ge @!p0 [sflag:s0], s1  }
0x1b4: {  	s1 =	ssub.s32 @!p0 $0x0, s1;
	[sflag:s0] =	ssyncset.done @!p0 $0x0  }
0x1b5: {  	[sflag:s0] =	ssyncadd.s32 @!p0 s1  }
0x1b6: {  	[bflag:$0x3] =	sbarrier.arrive $0xFFFF  }
0x1b7: {  	_ =	shalt  }

</sc_bundles>
